<compile_context>
chip_gen: v7x
topology: tpu7x:2x2x1
jax: 0.10.2.dev20260603
libtpu: 0.0.44.dev20260713+nightly
codegen_flags: <defaults>
</compile_context>

<pallas_src>
import functools

import jax
import jax.numpy as jnp
from jax import lax
from jax.experimental import pallas as pl
from jax.experimental.pallas import tpu as pltpu
from jax.experimental.pallas import tpu_sc as plsc

NC = 2
NS = 16
NW = NC * NS
LANES = 16
CHUNK = 128
BLK = 512
SHIFT = 14
MASK = (1 << SHIFT) - 1


def _make_deg_kernel(NPAD, K):
    RPT = NPAD // NS

    mesh = plsc.VectorSubcoreMesh(
        core_axis_name="c", subcore_axis_name="s", num_cores=NC,
        num_subcores=NS)

    @functools.partial(
        pl.kernel,
        out_type=jax.ShapeDtypeStruct((NC * NPAD,), jnp.float32),
        mesh=mesh,
        scratch_types=[
            pltpu.VMEM((K, CHUNK), jnp.int32),
            pltpu.VMEM((CHUNK,), jnp.int32),
            pltpu.VMEM((CHUNK,), jnp.float32),
            pltpu.VMEM((RPT,), jnp.float32),
            pltpu.VMEM_SHARED((NPAD,), jnp.float32),
        ],
    )
    def deg_kernel(pk_hbm, deg_hbm, pk_v, di_v, ones_v, zb, deg_sp):
        cid = lax.axis_index("c")
        sid = lax.axis_index("s")
        wid = sid * NC + cid

        pltpu.sync_copy(pk_hbm.at[wid], pk_v)

        one16 = jnp.ones((LANES,), jnp.float32)
        zero16 = jnp.zeros((LANES,), jnp.float32)

        def fill_ones(r, _):
            ones_v[pl.ds(r * LANES, LANES)] = one16
            return 0
        lax.fori_loop(0, CHUNK // LANES, fill_ones, 0)

        def fill_zero(r, _):
            zb[pl.ds(r * LANES, LANES)] = zero16
            return 0
        lax.fori_loop(0, RPT // LANES, fill_zero, 0)

        pltpu.sync_copy(zb, deg_sp.at[pl.ds(sid * RPT, RPT)])
        plsc.subcore_barrier()

        def scatter(c, _):
            for k in range(CHUNK // LANES):
                v = pk_v[c, pl.ds(k * LANES, LANES)]
                di_v[pl.ds(k * LANES, LANES)] = v & MASK
            pltpu.sync_copy(ones_v, deg_sp.at[di_v], add=True)
            return 0
        lax.fori_loop(0, K, scatter, 0)

        plsc.subcore_barrier()
        pltpu.sync_copy(deg_sp.at[pl.ds(sid * RPT, RPT)], zb)
        pltpu.sync_copy(zb, deg_hbm.at[pl.ds(cid * NPAD + sid * RPT, RPT)])

    return deg_kernel


def _make_agg_kernel(NPAD, D, K):
    RPT = NPAD // NS
    DRAIN = RPT // CHUNK

    mesh = plsc.VectorSubcoreMesh(
        core_axis_name="c", subcore_axis_name="s", num_cores=NC,
        num_subcores=NS)

    @functools.partial(
        pl.kernel,
        out_type=jax.ShapeDtypeStruct((NC * NPAD, D), jnp.float32),
        mesh=mesh,
        scratch_types=[
            pltpu.VMEM((K, CHUNK), jnp.int32),
            pltpu.VMEM((CHUNK,), jnp.int32),
            pltpu.VMEM((CHUNK,), jnp.int32),
            pltpu.VMEM((CHUNK,), jnp.int32),
            pltpu.VMEM((CHUNK,), jnp.int32),
            pltpu.VMEM((CHUNK, D), jnp.float32),
            pltpu.VMEM((CHUNK, D), jnp.float32),
            pltpu.SemaphoreType.DMA,
            pltpu.SemaphoreType.DMA,
            pltpu.SemaphoreType.DMA,
            pltpu.SemaphoreType.DMA,
            pltpu.VMEM_SHARED((NPAD, D), jnp.float32),
        ],
    )
    def agg_kernel(y_hbm, pk_hbm, out_hbm,
                   pk_v, si_a, si_b, di_a, di_b, buf_a, buf_b,
                   ga, gb, sa, sb, acc_sp):
        cid = lax.axis_index("c")
        sid = lax.axis_index("s")
        wid = sid * NC + cid

        pltpu.sync_copy(pk_hbm.at[wid], pk_v)

        def unpack_src(c, out_ref):
            for k in range(CHUNK // LANES):
                v = pk_v[c, pl.ds(k * LANES, LANES)]
                out_ref[pl.ds(k * LANES, LANES)] = v >> SHIFT

        def unpack_dst(c, out_ref):
            for k in range(CHUNK // LANES):
                v = pk_v[c, pl.ds(k * LANES, LANES)]
                out_ref[pl.ds(k * LANES, LANES)] = v & MASK

        zero16 = jnp.zeros((LANES,), jnp.float32)

        def fill_zero(r, _):
            for k in range(D // LANES):
                buf_a[r, pl.ds(k * LANES, LANES)] = zero16
            return 0
        lax.fori_loop(0, CHUNK, fill_zero, 0)

        for j in range(DRAIN):
            pltpu.sync_copy(
                buf_a, acc_sp.at[pl.ds(sid * RPT + j * CHUNK, CHUNK)])

        unpack_src(0, si_a)
        pltpu.async_copy(y_hbm.at[si_a], buf_a, ga)
        unpack_src(1, si_b)
        pltpu.async_copy(y_hbm.at[si_b], buf_b, gb)
        plsc.subcore_barrier()

        def step(j, _):
            c0 = 2 * j
            c1 = 2 * j + 1

            pltpu.make_async_copy(y_hbm.at[si_a], buf_a, ga).wait()
            unpack_dst(c0, di_a)
            d_sa = pltpu.async_copy(buf_a, acc_sp.at[di_a], sa, add=True)

            pltpu.make_async_copy(y_hbm.at[si_b], buf_b, gb).wait()
            unpack_dst(c1, di_b)
            d_sb = pltpu.async_copy(buf_b, acc_sp.at[di_b], sb, add=True)

            @pl.when(c0 + 2 < K)
            def _():
                unpack_src(c0 + 2, si_a)
                d_sa.wait()
                pltpu.async_copy(y_hbm.at[si_a], buf_a, ga)

            @pl.when(c1 + 2 < K)
            def _():
                unpack_src(c1 + 2, si_b)
                d_sb.wait()
                pltpu.async_copy(y_hbm.at[si_b], buf_b, gb)
            return 0
        lax.fori_loop(0, K // 2, step, 0)

        pltpu.make_async_copy(buf_a, acc_sp.at[di_a], sa).wait()
        pltpu.make_async_copy(buf_b, acc_sp.at[di_b], sb).wait()

        plsc.subcore_barrier()
        for j in range(DRAIN):
            r0 = sid * RPT + j * CHUNK
            pltpu.sync_copy(acc_sp.at[pl.ds(r0, CHUNK)], buf_a)
            pltpu.sync_copy(buf_a, out_hbm.at[pl.ds(cid * NPAD + r0, CHUNK)])

    return agg_kernel


def _dense_y(x_ref, w_ref, deg0_ref, deg1_ref, y_ref, dinv_ref):
    deg = deg0_ref[...] + deg1_ref[...] + 1.0
    dinv = lax.rsqrt(deg)
    h = jnp.where(x_ref[...] >= 0.0, x_ref[...], 0.5 * x_ref[...])
    y = jnp.dot(h, w_ref[...], preferred_element_type=jnp.float32,
                precision=lax.Precision.HIGHEST)
    y_ref[...] = y * dinv
    dinv_ref[...] = dinv


def _dense_fin(p0_ref, p1_ref, y_ref, dinv_ref, b_ref, o_ref):
    agg = p0_ref[...] + p1_ref[...] + y_ref[...]
    o_ref[...] = agg * dinv_ref[...] + b_ref[...]


def kernel(x, edge_index, W, b):
    N, D = x.shape
    E = edge_index.shape[1]
    NPAD = ((N + BLK) // BLK) * BLK
    K = -(-E // (NW * CHUNK))
    K += K % 2
    EP = NW * K * CHUNK

    src = edge_index[0]
    dst = edge_index[1]
    packed = jnp.concatenate([
        (src << SHIFT) | dst,
        jnp.full((EP - E,), (N << SHIFT) | N, dtype=jnp.int32),
    ]).reshape(NW, K, CHUNK)
    x_ext = jnp.pad(x, ((0, NPAD - N), (0, 0)))

    deg = _make_deg_kernel(NPAD, K)(packed)
    deg0 = deg[:NPAD].reshape(NPAD, 1)
    deg1 = deg[NPAD:].reshape(NPAD, 1)

    nblk = NPAD // BLK
    y_ext, dinv = pl.pallas_call(
        _dense_y,
        grid=(nblk,),
        in_specs=[
            pl.BlockSpec((BLK, D), lambda i: (i, 0)),
            pl.BlockSpec((D, D), lambda i: (0, 0)),
            pl.BlockSpec((BLK, 1), lambda i: (i, 0)),
            pl.BlockSpec((BLK, 1), lambda i: (i, 0)),
        ],
        out_specs=[
            pl.BlockSpec((BLK, D), lambda i: (i, 0)),
            pl.BlockSpec((BLK, 1), lambda i: (i, 0)),
        ],
        out_shape=[
            jax.ShapeDtypeStruct((NPAD, D), jnp.float32),
            jax.ShapeDtypeStruct((NPAD, 1), jnp.float32),
        ],
    )(x_ext, W, deg0, deg1)

    parts = _make_agg_kernel(NPAD, D, K)(y_ext, packed)
    p0 = parts[:NPAD]
    p1 = parts[NPAD:]

    out = pl.pallas_call(
        _dense_fin,
        grid=(nblk,),
        in_specs=[
            pl.BlockSpec((BLK, D), lambda i: (i, 0)),
            pl.BlockSpec((BLK, D), lambda i: (i, 0)),
            pl.BlockSpec((BLK, D), lambda i: (i, 0)),
            pl.BlockSpec((BLK, 1), lambda i: (i, 0)),
            pl.BlockSpec((1, D), lambda i: (0, 0)),
        ],
        out_specs=pl.BlockSpec((BLK, D), lambda i: (i, 0)),
        out_shape=jax.ShapeDtypeStruct((NPAD, D), jnp.float32),
    )(p0, p1, y_ext, dinv, b.reshape(1, D))

    return out[:N]

# --- scband reference (transcript-rebuilt; emitter-appended) ---
"""Pipeline reference for scband-cheb-conv-net-36601711297131 (READ-ONLY COPY).

The authoritative reference and input builder live on the scoring server;
editing this copy changes nothing except your own understanding.
"""

import jax, jax.numpy as jnp
import numpy as np

N_NODES = 10000
N_EDGES = 320000
D_IN = 128
D_OUT = 128


def setup_inputs(seed: int = 0) -> dict:
    key = jax.random.key(seed)
    k1, k2, k3, k4 = jax.random.split(key, 4)
    x = jax.random.normal(k1, (N_NODES, D_IN), dtype=jnp.float32)
    # edge_index = adj.nonzero().t() in the torch module; materialized directly here.
    edge_index = jax.random.randint(k2, (2, N_EDGES), 0, N_NODES, dtype=jnp.int32)
    # GCNConv learned parameters (num_conv_layers=1 -> single conv input_dim->output_dim)
    W = jax.random.normal(k3, (D_IN, D_OUT), dtype=jnp.float32) * 0.05
    b = jnp.zeros((D_OUT,), dtype=jnp.float32)
    return {"x": x, "edge_index": edge_index, "W": W, "b": b}


def reference(x, edge_index, W, b):
    N = x.shape[0]
    # forward: dropout (identity in eval) -> LeakyReLU(0.5) -> GCNConv
    h = jax.nn.leaky_relu(x, negative_slope=0.5)
    src = edge_index[0]
    dst = edge_index[1]
    # GCNConv: add self loops
    loop = jnp.arange(N, dtype=src.dtype)
    src = jnp.concatenate([src, loop])
    dst = jnp.concatenate([dst, loop])
    ew = jnp.ones((src.shape[0],), dtype=x.dtype)
    # symmetric normalization D^{-1/2} (A+I) D^{-1/2}
    deg = jnp.zeros((N,), dtype=x.dtype).at[dst].add(ew)
    deg_inv_sqrt = jnp.where(deg > 0, jax.lax.rsqrt(jnp.where(deg > 0, deg, 1.0)), 0.0)
    norm = deg_inv_sqrt[src] * ew * deg_inv_sqrt[dst]
    # linear transform then gather-message-scatter-add aggregate
    h = h @ W
    msg = h[src] * norm[:, None]
    out = jnp.zeros((N, W.shape[1]), dtype=x.dtype).at[dst].add(msg)
    return out + b

if __name__ == "__main__":
    import jax
    _d = setup_inputs()
    print(jax.jit(kernel)(*tuple(_d.values())))

</pallas_src>

<mosaic_0001>
#map = affine_map<(d0, d1) -> (0, 0, 0)>
#map1 = affine_map<(d0, d1) -> (0)>
module attributes {stable_mosaic.version = 14 : i64} {
  func.func @deg_kernel(%arg0: i32, %arg1: i32, %arg2: memref<32x80x128xi32, #tpu.memory_space<hbm>>, %arg3: memref<20480xf32, #tpu.memory_space<hbm>>, %arg4: memref<80x128xi32, #tpu.memory_space<vmem>>, %arg5: memref<128xi32, #tpu.memory_space<vmem>>, %arg6: memref<128xf32, #tpu.memory_space<vmem>>, %arg7: memref<640xf32, #tpu.memory_space<vmem>>, %arg8: memref<10240xf32, #tpu.memory_space<vmem_shared>>) attributes {dimension_semantics = [#tpu.dimension_semantics<core_parallel>, #tpu.dimension_semantics<subcore_parallel>], iteration_bounds = array<i64: 2, 16>, scalar_prefetch = 0 : i64, scratch_operands = 5 : i64, tpu.core_type = #tpu.core_type<sc_vector_subcore>, window_params = [{transform_indices = #map}, {transform_indices = #map1}]} {
    %mul3A = arith.constant 2 : i32
    %mul3A_0 = arith.muli %arg1, %mul3A : i32
    %add3A = arith.addi %mul3A_0, %arg0 : i32
    "tpu.region"() ({
      %run_scoped3A = tpu.sem_alloc : memref<!tpu.dma_semaphore, #tpu.memory_space<semaphore_mem>>
      %dma_start3A = arith.constant 0 : i32
      %dma_start3A_34 = arith.constant 0 : i32
      %dma_start3A_35 = tpu.memref_slice %arg2[%add3A, %dma_start3A, %dma_start3A_34] : memref<32x80x128xi32, #tpu.memory_space<hbm>> -> memref<1x80x128xi32, #tpu.memory_space<hbm>>
      %dma_start3A_36 = tpu.memref_squeeze %dma_start3A_35 : memref<1x80x128xi32, #tpu.memory_space<hbm>> -> memref<80x128xi32, #tpu.memory_space<hbm>>
      %dma_start3A_37 = arith.constant 0 : i32
      %dma_start3A_38 = arith.constant 0 : i32
      %dma_start3A_39 = tpu.memref_slice %arg2[%add3A, %dma_start3A_37, %dma_start3A_38] : memref<32x80x128xi32, #tpu.memory_space<hbm>> -> memref<1x80x128xi32, #tpu.memory_space<hbm>>
      %dma_start3A_40 = tpu.memref_squeeze %dma_start3A_39 : memref<1x80x128xi32, #tpu.memory_space<hbm>> -> memref<80x128xi32, #tpu.memory_space<hbm>>
      tpu.enqueue_dma source(%dma_start3A_40 : memref<80x128xi32, #tpu.memory_space<hbm>>) target(%arg4 : memref<80x128xi32, #tpu.memory_space<vmem>>) target_semaphore(%run_scoped3A : memref<!tpu.dma_semaphore, #tpu.memory_space<semaphore_mem>>)
      %dma_wait3A = arith.constant 0 : i32
      %dma_wait3A_41 = arith.constant 0 : i32
      %dma_wait3A_42 = tpu.memref_slice %arg2[%add3A, %dma_wait3A, %dma_wait3A_41] : memref<32x80x128xi32, #tpu.memory_space<hbm>> -> memref<1x80x128xi32, #tpu.memory_space<hbm>>
      %dma_wait3A_43 = tpu.memref_squeeze %dma_wait3A_42 : memref<1x80x128xi32, #tpu.memory_space<hbm>> -> memref<80x128xi32, #tpu.memory_space<hbm>>
      %dma_wait3A_44 = arith.constant 0 : i32
      %dma_wait3A_45 = arith.constant 0 : i32
      %dma_wait3A_46 = tpu.memref_slice %arg2[%add3A, %dma_wait3A_44, %dma_wait3A_45] : memref<32x80x128xi32, #tpu.memory_space<hbm>> -> memref<1x80x128xi32, #tpu.memory_space<hbm>>
      %dma_wait3A_47 = tpu.memref_squeeze %dma_wait3A_46 : memref<1x80x128xi32, #tpu.memory_space<hbm>> -> memref<80x128xi32, #tpu.memory_space<hbm>>
      tpu.wait_dma2 semaphore(%run_scoped3A : memref<!tpu.dma_semaphore, #tpu.memory_space<semaphore_mem>>) src(%dma_wait3A_47 : memref<80x128xi32, #tpu.memory_space<hbm>>) dst(%arg4 : memref<80x128xi32, #tpu.memory_space<vmem>>)
      tpu.yield
    }) : () -> ()
    %broadcast_in_dim3A = arith.constant 1.000000e+00 : f32
    %broadcast_in_dim3A_1 = vector.broadcast %broadcast_in_dim3A : f32 to vector<16xf32>
    %broadcast_in_dim3A_2 = arith.constant 0.000000e+00 : f32
    %broadcast_in_dim3A_3 = vector.broadcast %broadcast_in_dim3A_2 : f32 to vector<16xf32>
    %scan3A = arith.constant 0 : i32
    %scan3A_4 = arith.constant 0 : i32
    %scan3A_5 = arith.constant 8 : i32
    %scan3A_6 = arith.addi %scan3A_4, %scan3A_5 : i32
    %scan3A_7 = arith.constant 1 : i32
    %scan3A_8 = scf.for %scan3A_34 = %scan3A_4 to %scan3A_6 step %scan3A_7 iter_args(%scan3A_35 = %scan3A) -> (i32)  : i32 {
      %mul3A_36 = arith.constant 16 : i32
      %mul3A_37 = arith.muli %scan3A_34, %mul3A_36 : i32
      %swap3A = arith.index_cast %mul3A_37 : i32 to index
      %swap3A_38 = tpu.vector_load %arg6[%swap3A] {strides = array<i32>} : memref<128xf32, #tpu.memory_space<vmem>>, vector<16xf32>,
      %swap3A_39 = vector.shape_cast %swap3A_38 : vector<16xf32> to vector<16xf32>
      %swap3A_40 = vector.shape_cast %broadcast_in_dim3A_1 : vector<16xf32> to vector<16xf32>
      tpu.vector_store %arg6[%swap3A], %swap3A_40 {strides = array<i32>} : memref<128xf32, #tpu.memory_space<vmem>>, vector<16xf32>,
      %scan3A_41 = arith.constant 0 : i32
      scf.yield %scan3A_41 : i32
    }
    %scan3A_9 = arith.constant 8 : i32
    %scan3A_10 = arith.constant 0 : i32
    %scan3A_11 = arith.constant 0 : i32
    %scan3A_12 = arith.constant 40 : i32
    %scan3A_13 = arith.addi %scan3A_11, %scan3A_12 : i32
    %scan3A_14 = arith.constant 1 : i32
    %scan3A_15 = scf.for %scan3A_34 = %scan3A_11 to %scan3A_13 step %scan3A_14 iter_args(%scan3A_35 = %scan3A_10) -> (i32)  : i32 {
      %mul3A_36 = arith.constant 16 : i32
      %mul3A_37 = arith.muli %scan3A_34, %mul3A_36 : i32
      %swap3A = arith.index_cast %mul3A_37 : i32 to index
      %swap3A_38 = tpu.vector_load %arg7[%swap3A] {strides = array<i32>} : memref<640xf32, #tpu.memory_space<vmem>>, vector<16xf32>,
      %swap3A_39 = vector.shape_cast %swap3A_38 : vector<16xf32> to vector<16xf32>
      %swap3A_40 = vector.shape_cast %broadcast_in_dim3A_3 : vector<16xf32> to vector<16xf32>
      tpu.vector_store %arg7[%swap3A], %swap3A_40 {strides = array<i32>} : memref<640xf32, #tpu.memory_space<vmem>>, vector<16xf32>,
      %scan3A_41 = arith.constant 0 : i32
      scf.yield %scan3A_41 : i32
    }
    %scan3A_16 = arith.constant 40 : i32
    %mul3A_17 = arith.constant 640 : i32
    %mul3A_18 = arith.muli %arg1, %mul3A_17 : i32
    "tpu.region"() ({
      %run_scoped3A = tpu.sem_alloc : memref<!tpu.dma_semaphore, #tpu.memory_space<semaphore_mem>>
      %dma_start3A = tpu.memref_slice %arg8[%mul3A_18] : memref<10240xf32, #tpu.memory_space<vmem_shared>> -> memref<640xf32, #tpu.memory_space<vmem_shared>>
      %dma_start3A_34 = tpu.memref_slice %arg8[%mul3A_18] : memref<10240xf32, #tpu.memory_space<vmem_shared>> -> memref<640xf32, #tpu.memory_space<vmem_shared>>
      tpu.enqueue_dma source(%arg7 : memref<640xf32, #tpu.memory_space<vmem>>) target(%dma_start3A_34 : memref<640xf32, #tpu.memory_space<vmem_shared>>) target_semaphore(%run_scoped3A : memref<!tpu.dma_semaphore, #tpu.memory_space<semaphore_mem>>)
      %dma_wait3A = tpu.memref_slice %arg8[%mul3A_18] : memref<10240xf32, #tpu.memory_space<vmem_shared>> -> memref<640xf32, #tpu.memory_space<vmem_shared>>
      %dma_wait3A_35 = tpu.memref_slice %arg8[%mul3A_18] : memref<10240xf32, #tpu.memory_space<vmem_shared>> -> memref<640xf32, #tpu.memory_space<vmem_shared>>
      tpu.wait_dma2 semaphore(%run_scoped3A : memref<!tpu.dma_semaphore, #tpu.memory_space<semaphore_mem>>) src(%arg7 : memref<640xf32, #tpu.memory_space<vmem>>) dst(%dma_wait3A_35 : memref<640xf32, #tpu.memory_space<vmem_shared>>)
      tpu.yield
    }) : () -> ()
    %barrier3A = arith.constant 0 : index
    tpu.barrier barrier_id(%barrier3A)
    %scan3A_19 = arith.constant 0 : i32
    %scan3A_20 = arith.constant 0 : i32
    %scan3A_21 = arith.constant 80 : i32
    %scan3A_22 = arith.addi %scan3A_20, %scan3A_21 : i32
    %scan3A_23 = arith.constant 1 : i32
    %scan3A_24 = scf.for %scan3A_34 = %scan3A_20 to %scan3A_22 step %scan3A_23 iter_args(%scan3A_35 = %scan3A_19) -> (i32)  : i32 {
      %get3A = arith.index_cast %scan3A_34 : i32 to index
      %get3A_36 = arith.constant 0 : index
      %get3A_37 = tpu.vector_load %arg4[%get3A, %get3A_36] {strides = array<i32>} : memref<80x128xi32, #tpu.memory_space<vmem>>, vector<1x16xi32>,
      %get3A_38 = vector.shape_cast %get3A_37 : vector<1x16xi32> to vector<16xi32>
      %and3A = arith.constant 16383 : i32
      %and3A_39 = vector.broadcast %and3A : i32 to vector<16xi32>
      %and3A_40 = arith.andi %get3A_38, %and3A_39 : vector<16xi32>
      %swap3A = arith.constant 0 : index
      %swap3A_41 = tpu.vector_load %arg5[%swap3A] {strides = array<i32>} : memref<128xi32, #tpu.memory_space<vmem>>, vector<16xi32>,
      %swap3A_42 = vector.shape_cast %swap3A_41 : vector<16xi32> to vector<16xi32>
      %swap3A_43 = vector.shape_cast %and3A_40 : vector<16xi32> to vector<16xi32>
      tpu.vector_store %arg5[%swap3A], %swap3A_43 {strides = array<i32>} : memref<128xi32, #tpu.memory_space<vmem>>, vector<16xi32>,
      %get3A_44 = arith.index_cast %scan3A_34 : i32 to index
      %get3A_45 = arith.constant 16 : index
      %get3A_46 = tpu.vector_load %arg4[%get3A_44, %get3A_45] {strides = array<i32>} : memref<80x128xi32, #tpu.memory_space<vmem>>, vector<1x16xi32>,
      %get3A_47 = vector.shape_cast %get3A_46 : vector<1x16xi32> to vector<16xi32>
      %and3A_48 = arith.constant 16383 : i32
      %and3A_49 = vector.broadcast %and3A_48 : i32 to vector<16xi32>
      %and3A_50 = arith.andi %get3A_47, %and3A_49 : vector<16xi32>
      %swap3A_51 = arith.constant 16 : index
      %swap3A_52 = tpu.vector_load %arg5[%swap3A_51] {strides = array<i32>} : memref<128xi32, #tpu.memory_space<vmem>>, vector<16xi32>,
      %swap3A_53 = vector.shape_cast %swap3A_52 : vector<16xi32> to vector<16xi32>
      %swap3A_54 = vector.shape_cast %and3A_50 : vector<16xi32> to vector<16xi32>
      tpu.vector_store %arg5[%swap3A_51], %swap3A_54 {strides = array<i32>} : memref<128xi32, #tpu.memory_space<vmem>>, vector<16xi32>,
      %get3A_55 = arith.index_cast %scan3A_34 : i32 to index
      %get3A_56 = arith.constant 32 : index
      %get3A_57 = tpu.vector_load %arg4[%get3A_55, %get3A_56] {strides = array<i32>} : memref<80x128xi32, #tpu.memory_space<vmem>>, vector<1x16xi32>,
      %get3A_58 = vector.shape_cast %get3A_57 : vector<1x16xi32> to vector<16xi32>
      %and3A_59 = arith.constant 16383 : i32
      %and3A_60 = vector.broadcast %and3A_59 : i32 to vector<16xi32>
      %and3A_61 = arith.andi %get3A_58, %and3A_60 : vector<16xi32>
      %swap3A_62 = arith.constant 32 : index
      %swap3A_63 = tpu.vector_load %arg5[%swap3A_62] {strides = array<i32>} : memref<128xi32, #tpu.memory_space<vmem>>, vector<16xi32>,
      %swap3A_64 = vector.shape_cast %swap3A_63 : vector<16xi32> to vector<16xi32>
      %swap3A_65 = vector.shape_cast %and3A_61 : vector<16xi32> to vector<16xi32>
      tpu.vector_store %arg5[%swap3A_62], %swap3A_65 {strides = array<i32>} : memref<128xi32, #tpu.memory_space<vmem>>, vector<16xi32>,
      %get3A_66 = arith.index_cast %scan3A_34 : i32 to index
      %get3A_67 = arith.constant 48 : index
      %get3A_68 = tpu.vector_load %arg4[%get3A_66, %get3A_67] {strides = array<i32>} : memref<80x128xi32, #tpu.memory_space<vmem>>, vector<1x16xi32>,
      %get3A_69 = vector.shape_cast %get3A_68 : vector<1x16xi32> to vector<16xi32>
      %and3A_70 = arith.constant 16383 : i32
      %and3A_71 = vector.broadcast %and3A_70 : i32 to vector<16xi32>
      %and3A_72 = arith.andi %get3A_69, %and3A_71 : vector<16xi32>
      %swap3A_73 = arith.constant 48 : index
      %swap3A_74 = tpu.vector_load %arg5[%swap3A_73] {strides = array<i32>} : memref<128xi32, #tpu.memory_space<vmem>>, vector<16xi32>,
      %swap3A_75 = vector.shape_cast %swap3A_74 : vector<16xi32> to vector<16xi32>
      %swap3A_76 = vector.shape_cast %and3A_72 : vector<16xi32> to vector<16xi32>
      tpu.vector_store %arg5[%swap3A_73], %swap3A_76 {strides = array<i32>} : memref<128xi32, #tpu.memory_space<vmem>>, vector<16xi32>,
      %get3A_77 = arith.index_cast %scan3A_34 : i32 to index
      %get3A_78 = arith.constant 64 : index
      %get3A_79 = tpu.vector_load %arg4[%get3A_77, %get3A_78] {strides = array<i32>} : memref<80x128xi32, #tpu.memory_space<vmem>>, vector<1x16xi32>,
      %get3A_80 = vector.shape_cast %get3A_79 : vector<1x16xi32> to vector<16xi32>
      %and3A_81 = arith.constant 16383 : i32
      %and3A_82 = vector.broadcast %and3A_81 : i32 to vector<16xi32>
      %and3A_83 = arith.andi %get3A_80, %and3A_82 : vector<16xi32>
      %swap3A_84 = arith.constant 64 : index
      %swap3A_85 = tpu.vector_load %arg5[%swap3A_84] {strides = array<i32>} : memref<128xi32, #tpu.memory_space<vmem>>, vector<16xi32>,
      %swap3A_86 = vector.shape_cast %swap3A_85 : vector<16xi32> to vector<16xi32>
      %swap3A_87 = vector.shape_cast %and3A_83 : vector<16xi32> to vector<16xi32>
      tpu.vector_store %arg5[%swap3A_84], %swap3A_87 {strides = array<i32>} : memref<128xi32, #tpu.memory_space<vmem>>, vector<16xi32>,
      %get3A_88 = arith.index_cast %scan3A_34 : i32 to index
      %get3A_89 = arith.constant 80 : index
      %get3A_90 = tpu.vector_load %arg4[%get3A_88, %get3A_89] {strides = array<i32>} : memref<80x128xi32, #tpu.memory_space<vmem>>, vector<1x16xi32>,
      %get3A_91 = vector.shape_cast %get3A_90 : vector<1x16xi32> to vector<16xi32>
      %and3A_92 = arith.constant 16383 : i32
      %and3A_93 = vector.broadcast %and3A_92 : i32 to vector<16xi32>
      %and3A_94 = arith.andi %get3A_91, %and3A_93 : vector<16xi32>
      %swap3A_95 = arith.constant 80 : index
      %swap3A_96 = tpu.vector_load %arg5[%swap3A_95] {strides = array<i32>} : memref<128xi32, #tpu.memory_space<vmem>>, vector<16xi32>,
      %swap3A_97 = vector.shape_cast %swap3A_96 : vector<16xi32> to vector<16xi32>
      %swap3A_98 = vector.shape_cast %and3A_94 : vector<16xi32> to vector<16xi32>
      tpu.vector_store %arg5[%swap3A_95], %swap3A_98 {strides = array<i32>} : memref<128xi32, #tpu.memory_space<vmem>>, vector<16xi32>,
      %get3A_99 = arith.index_cast %scan3A_34 : i32 to index
      %get3A_100 = arith.constant 96 : index
      %get3A_101 = tpu.vector_load %arg4[%get3A_99, %get3A_100] {strides = array<i32>} : memref<80x128xi32, #tpu.memory_space<vmem>>, vector<1x16xi32>,
      %get3A_102 = vector.shape_cast %get3A_101 : vector<1x16xi32> to vector<16xi32>
      %and3A_103 = arith.constant 16383 : i32
      %and3A_104 = vector.broadcast %and3A_103 : i32 to vector<16xi32>
      %and3A_105 = arith.andi %get3A_102, %and3A_104 : vector<16xi32>
      %swap3A_106 = arith.constant 96 : index
      %swap3A_107 = tpu.vector_load %arg5[%swap3A_106] {strides = array<i32>} : memref<128xi32, #tpu.memory_space<vmem>>, vector<16xi32>,
      %swap3A_108 = vector.shape_cast %swap3A_107 : vector<16xi32> to vector<16xi32>
      %swap3A_109 = vector.shape_cast %and3A_105 : vector<16xi32> to vector<16xi32>
      tpu.vector_store %arg5[%swap3A_106], %swap3A_109 {strides = array<i32>} : memref<128xi32, #tpu.memory_space<vmem>>, vector<16xi32>,
      %get3A_110 = arith.index_cast %scan3A_34 : i32 to index
      %get3A_111 = arith.constant 112 : index
      %get3A_112 = tpu.vector_load %arg4[%get3A_110, %get3A_111] {strides = array<i32>} : memref<80x128xi32, #tpu.memory_space<vmem>>, vector<1x16xi32>,
      %get3A_113 = vector.shape_cast %get3A_112 : vector<1x16xi32> to vector<16xi32>
      %and3A_114 = arith.constant 16383 : i32
      %and3A_115 = vector.broadcast %and3A_114 : i32 to vector<16xi32>
      %and3A_116 = arith.andi %get3A_113, %and3A_115 : vector<16xi32>
      %swap3A_117 = arith.constant 112 : index
      %swap3A_118 = tpu.vector_load %arg5[%swap3A_117] {strides = array<i32>} : memref<128xi32, #tpu.memory_space<vmem>>, vector<16xi32>,
      %swap3A_119 = vector.shape_cast %swap3A_118 : vector<16xi32> to vector<16xi32>
      %swap3A_120 = vector.shape_cast %and3A_116 : vector<16xi32> to vector<16xi32>
      tpu.vector_store %arg5[%swap3A_117], %swap3A_120 {strides = array<i32>} : memref<128xi32, #tpu.memory_space<vmem>>, vector<16xi32>,
      "tpu.region"() ({
        %run_scoped3A = tpu.sem_alloc : memref<!tpu.dma_semaphore, #tpu.memory_space<semaphore_mem>>
        %dma_start3A = arith.constant 0 : i32
        %dma_start3A_122 = tpu.memref_slice %arg8[%dma_start3A] : memref<10240xf32, #tpu.memory_space<vmem_shared>> -> memref<10240xf32, #tpu.memory_space<vmem_shared>>
        tpu.enqueue_indirect_dma source(%arg6 : memref<128xf32, #tpu.memory_space<vmem>>) target(%dma_start3A_122 : memref<10240xf32, #tpu.memory_space<vmem_shared>>) offsets(%arg5 : memref<128xi32, #tpu.memory_space<vmem>>) semaphore(%run_scoped3A : memref<!tpu.dma_semaphore, #tpu.memory_space<semaphore_mem>>) {add = true}
        %dma_wait3A = arith.constant 0 : i32
        %dma_wait3A_123 = tpu.memref_slice %arg8[%dma_wait3A] : memref<10240xf32, #tpu.memory_space<vmem_shared>> -> memref<10240xf32, #tpu.memory_space<vmem_shared>>
        tpu.wait_indirect_dma semaphore(%run_scoped3A : memref<!tpu.dma_semaphore, #tpu.memory_space<semaphore_mem>>) src(%arg6 : memref<128xf32, #tpu.memory_space<vmem>>) dst(%dma_wait3A_123 : memref<10240xf32, #tpu.memory_space<vmem_shared>>)
        tpu.yield
      }) : () -> ()
      %scan3A_121 = arith.constant 0 : i32
      scf.yield %scan3A_121 : i32
    }
    %scan3A_25 = arith.constant 80 : i32
    %barrier3A_26 = arith.constant 0 : index
    tpu.barrier barrier_id(%barrier3A_26)
    %mul3A_27 = arith.constant 640 : i32
    %mul3A_28 = arith.muli %arg1, %mul3A_27 : i32
    "tpu.region"() ({
      %run_scoped3A = tpu.sem_alloc : memref<!tpu.dma_semaphore, #tpu.memory_space<semaphore_mem>>
      %dma_start3A = tpu.memref_slice %arg8[%mul3A_28] : memref<10240xf32, #tpu.memory_space<vmem_shared>> -> memref<640xf32, #tpu.memory_space<vmem_shared>>
      %dma_start3A_34 = tpu.memref_slice %arg8[%mul3A_28] : memref<10240xf32, #tpu.memory_space<vmem_shared>> -> memref<640xf32, #tpu.memory_space<vmem_shared>>
      tpu.enqueue_dma source(%dma_start3A_34 : memref<640xf32, #tpu.memory_space<vmem_shared>>) target(%arg7 : memref<640xf32, #tpu.memory_space<vmem>>) target_semaphore(%run_scoped3A : memref<!tpu.dma_semaphore, #tpu.memory_space<semaphore_mem>>)
      %dma_wait3A = tpu.memref_slice %arg8[%mul3A_28] : memref<10240xf32, #tpu.memory_space<vmem_shared>> -> memref<640xf32, #tpu.memory_space<vmem_shared>>
      %dma_wait3A_35 = tpu.memref_slice %arg8[%mul3A_28] : memref<10240xf32, #tpu.memory_space<vmem_shared>> -> memref<640xf32, #tpu.memory_space<vmem_shared>>
      tpu.wait_dma2 semaphore(%run_scoped3A : memref<!tpu.dma_semaphore, #tpu.memory_space<semaphore_mem>>) src(%dma_wait3A_35 : memref<640xf32, #tpu.memory_space<vmem_shared>>) dst(%arg7 : memref<640xf32, #tpu.memory_space<vmem>>)
      tpu.yield
    }) : () -> ()
    %mul3A_29 = arith.constant 10240 : i32
    %mul3A_30 = arith.muli %arg0, %mul3A_29 : i32
    %mul3A_31 = arith.constant 640 : i32
    %mul3A_32 = arith.muli %arg1, %mul3A_31 : i32
    %add3A_33 = arith.addi %mul3A_30, %mul3A_32 : i32
    "tpu.region"() ({
      %run_scoped3A = tpu.sem_alloc : memref<!tpu.dma_semaphore, #tpu.memory_space<semaphore_mem>>
      %dma_start3A = tpu.memref_slice %arg3[%add3A_33] : memref<20480xf32, #tpu.memory_space<hbm>> -> memref<640xf32, #tpu.memory_space<hbm>>
      %dma_start3A_34 = tpu.memref_slice %arg3[%add3A_33] : memref<20480xf32, #tpu.memory_space<hbm>> -> memref<640xf32, #tpu.memory_space<hbm>>
      tpu.enqueue_dma source(%arg7 : memref<640xf32, #tpu.memory_space<vmem>>) target(%dma_start3A_34 : memref<640xf32, #tpu.memory_space<hbm>>) target_semaphore(%run_scoped3A : memref<!tpu.dma_semaphore, #tpu.memory_space<semaphore_mem>>)
      %dma_wait3A = tpu.memref_slice %arg3[%add3A_33] : memref<20480xf32, #tpu.memory_space<hbm>> -> memref<640xf32, #tpu.memory_space<hbm>>
      %dma_wait3A_35 = tpu.memref_slice %arg3[%add3A_33] : memref<20480xf32, #tpu.memory_space<hbm>> -> memref<640xf32, #tpu.memory_space<hbm>>
      tpu.wait_dma2 semaphore(%run_scoped3A : memref<!tpu.dma_semaphore, #tpu.memory_space<semaphore_mem>>) src(%arg7 : memref<640xf32, #tpu.memory_space<vmem>>) dst(%dma_wait3A_35 : memref<640xf32, #tpu.memory_space<hbm>>)
      tpu.yield
    }) : () -> ()
    return
  }
}

#map = affine_map<(d0, d1) -> (0, 0)>
#map1 = affine_map<(d0, d1) -> (0, 0, 0)>
module attributes {stable_mosaic.version = 14 : i64} {
  func.func @agg_kernel(%arg0: i32, %arg1: i32, %arg2: memref<10240x128xf32, #tpu.memory_space<hbm>>, %arg3: memref<32x80x128xi32, #tpu.memory_space<hbm>>, %arg4: memref<20480x128xf32, #tpu.memory_space<hbm>>, %arg5: memref<80x128xi32, #tpu.memory_space<vmem>>, %arg6: memref<128xi32, #tpu.memory_space<vmem>>, %arg7: memref<128xi32, #tpu.memory_space<vmem>>, %arg8: memref<128xi32, #tpu.memory_space<vmem>>, %arg9: memref<128xi32, #tpu.memory_space<vmem>>, %arg10: memref<128x128xf32, #tpu.memory_space<vmem>>, %arg11: memref<128x128xf32, #tpu.memory_space<vmem>>, %arg12: memref<!tpu.dma_semaphore, #tpu.memory_space<semaphore_mem>>, %arg13: memref<!tpu.dma_semaphore, #tpu.memory_space<semaphore_mem>>, %arg14: memref<!tpu.dma_semaphore, #tpu.memory_space<semaphore_mem>>, %arg15: memref<!tpu.dma_semaphore, #tpu.memory_space<semaphore_mem>>, %arg16: memref<10240x128xf32, #tpu.memory_space<vmem_shared>>) attributes {dimension_semantics = [#tpu.dimension_semantics<core_parallel>, #tpu.dimension_semantics<subcore_parallel>], iteration_bounds = array<i64: 2, 16>, scalar_prefetch = 0 : i64, scratch_operands = 12 : i64, tpu.core_type = #tpu.core_type<sc_vector_subcore>, window_params = [{transform_indices = #map}, {transform_indices = #map1}, {transform_indices = #map}]} {
    %mul3A = arith.constant 2 : i32
    %mul3A_0 = arith.muli %arg1, %mul3A : i32
    %add3A = arith.addi %mul3A_0, %arg0 : i32
    "tpu.region"() ({
      %run_scoped3A = tpu.sem_alloc : memref<!tpu.dma_semaphore, #tpu.memory_space<semaphore_mem>>
      %dma_start3A_270 = arith.constant 0 : i32
      %dma_start3A_271 = arith.constant 0 : i32
      %dma_start3A_272 = tpu.memref_slice %arg3[%add3A, %dma_start3A_270, %dma_start3A_271] : memref<32x80x128xi32, #tpu.memory_space<hbm>> -> memref<1x80x128xi32, #tpu.memory_space<hbm>>
      %dma_start3A_273 = tpu.memref_squeeze %dma_start3A_272 : memref<1x80x128xi32, #tpu.memory_space<hbm>> -> memref<80x128xi32, #tpu.memory_space<hbm>>
      %dma_start3A_274 = arith.constant 0 : i32
      %dma_start3A_275 = arith.constant 0 : i32
      %dma_start3A_276 = tpu.memref_slice %arg3[%add3A, %dma_start3A_274, %dma_start3A_275] : memref<32x80x128xi32, #tpu.memory_space<hbm>> -> memref<1x80x128xi32, #tpu.memory_space<hbm>>
      %dma_start3A_277 = tpu.memref_squeeze %dma_start3A_276 : memref<1x80x128xi32, #tpu.memory_space<hbm>> -> memref<80x128xi32, #tpu.memory_space<hbm>>
      tpu.enqueue_dma source(%dma_start3A_277 : memref<80x128xi32, #tpu.memory_space<hbm>>) target(%arg5 : memref<80x128xi32, #tpu.memory_space<vmem>>) target_semaphore(%run_scoped3A : memref<!tpu.dma_semaphore, #tpu.memory_space<semaphore_mem>>)
      %dma_wait3A_278 = arith.constant 0 : i32
      %dma_wait3A_279 = arith.constant 0 : i32
      %dma_wait3A_280 = tpu.memref_slice %arg3[%add3A, %dma_wait3A_278, %dma_wait3A_279] : memref<32x80x128xi32, #tpu.memory_space<hbm>> -> memref<1x80x128xi32, #tpu.memory_space<hbm>>
      %dma_wait3A_281 = tpu.memref_squeeze %dma_wait3A_280 : memref<1x80x128xi32, #tpu.memory_space<hbm>> -> memref<80x128xi32, #tpu.memory_space<hbm>>
      %dma_wait3A_282 = arith.constant 0 : i32
      %dma_wait3A_283 = arith.constant 0 : i32
      %dma_wait3A_284 = tpu.memref_slice %arg3[%add3A, %dma_wait3A_282, %dma_wait3A_283] : memref<32x80x128xi32, #tpu.memory_space<hbm>> -> memref<1x80x128xi32, #tpu.memory_space<hbm>>
      %dma_wait3A_285 = tpu.memref_squeeze %dma_wait3A_284 : memref<1x80x128xi32, #tpu.memory_space<hbm>> -> memref<80x128xi32, #tpu.memory_space<hbm>>
      tpu.wait_dma2 semaphore(%run_scoped3A : memref<!tpu.dma_semaphore, #tpu.memory_space<semaphore_mem>>) src(%dma_wait3A_285 : memref<80x128xi32, #tpu.memory_space<hbm>>) dst(%arg5 : memref<80x128xi32, #tpu.memory_space<vmem>>)
      tpu.yield
    }) : () -> ()
    %broadcast_in_dim3A = arith.constant 0.000000e+00 : f32
    %broadcast_in_dim3A_1 = vector.broadcast %broadcast_in_dim3A : f32 to vector<16xf32>
    %scan3A = arith.constant 0 : i32
    %scan3A_2 = arith.constant 0 : i32
    %scan3A_3 = arith.constant 128 : i32
    %scan3A_4 = arith.addi %scan3A_2, %scan3A_3 : i32
    %scan3A_5 = arith.constant 1 : i32
    %scan3A_6 = scf.for %scan3A_270 = %scan3A_2 to %scan3A_4 step %scan3A_5 iter_args(%scan3A_271 = %scan3A) -> (i32)  : i32 {
      %swap3A_272 = arith.index_cast %scan3A_270 : i32 to index
      %swap3A_273 = arith.constant 0 : index
      %swap3A_274 = tpu.vector_load %arg10[%swap3A_272, %swap3A_273] {strides = array<i32>} : memref<128x128xf32, #tpu.memory_space<vmem>>, vector<1x16xf32>,
      %swap3A_275 = vector.shape_cast %swap3A_274 : vector<1x16xf32> to vector<16xf32>
      %swap3A_276 = vector.shape_cast %broadcast_in_dim3A_1 : vector<16xf32> to vector<1x16xf32>
      tpu.vector_store %arg10[%swap3A_272, %swap3A_273], %swap3A_276 {strides = array<i32>} : memref<128x128xf32, #tpu.memory_space<vmem>>, vector<1x16xf32>,
      %swap3A_277 = arith.index_cast %scan3A_270 : i32 to index
      %swap3A_278 = arith.constant 16 : index
      %swap3A_279 = tpu.vector_load %arg10[%swap3A_277, %swap3A_278] {strides = array<i32>} : memref<128x128xf32, #tpu.memory_space<vmem>>, vector<1x16xf32>,
      %swap3A_280 = vector.shape_cast %swap3A_279 : vector<1x16xf32> to vector<16xf32>
      %swap3A_281 = vector.shape_cast %broadcast_in_dim3A_1 : vector<16xf32> to vector<1x16xf32>
      tpu.vector_store %arg10[%swap3A_277, %swap3A_278], %swap3A_281 {strides = array<i32>} : memref<128x128xf32, #tpu.memory_space<vmem>>, vector<1x16xf32>,
      %swap3A_282 = arith.index_cast %scan3A_270 : i32 to index
      %swap3A_283 = arith.constant 32 : index
      %swap3A_284 = tpu.vector_load %arg10[%swap3A_282, %swap3A_283] {strides = array<i32>} : memref<128x128xf32, #tpu.memory_space<vmem>>, vector<1x16xf32>,
      %swap3A_285 = vector.shape_cast %swap3A_284 : vector<1x16xf32> to vector<16xf32>
      %swap3A_286 = vector.shape_cast %broadcast_in_dim3A_1 : vector<16xf32> to vector<1x16xf32>
      tpu.vector_store %arg10[%swap3A_282, %swap3A_283], %swap3A_286 {strides = array<i32>} : memref<128x128xf32, #tpu.memory_space<vmem>>, vector<1x16xf32>,
      %swap3A_287 = arith.index_cast %scan3A_270 : i32 to index
      %swap3A_288 = arith.constant 48 : index
      %swap3A_289 = tpu.vector_load %arg10[%swap3A_287, %swap3A_288] {strides = array<i32>} : memref<128x128xf32, #tpu.memory_space<vmem>>, vector<1x16xf32>,
      %swap3A_290 = vector.shape_cast %swap3A_289 : vector<1x16xf32> to vector<16xf32>
      %swap3A_291 = vector.shape_cast %broadcast_in_dim3A_1 : vector<16xf32> to vector<1x16xf32>
      tpu.vector_store %arg10[%swap3A_287, %swap3A_288], %swap3A_291 {strides = array<i32>} : memref<128x128xf32, #tpu.memory_space<vmem>>, vector<1x16xf32>,
      %swap3A_292 = arith.index_cast %scan3A_270 : i32 to index
      %swap3A_293 = arith.constant 64 : index
      %swap3A_294 = tpu.vector_load %arg10[%swap3A_292, %swap3A_293] {strides = array<i32>} : memref<128x128xf32, #tpu.memory_space<vmem>>, vector<1x16xf32>,
      %swap3A_295 = vector.shape_cast %swap3A_294 : vector<1x16xf32> to vector<16xf32>
      %swap3A_296 = vector.shape_cast %broadcast_in_dim3A_1 : vector<16xf32> to vector<1x16xf32>
      tpu.vector_store %arg10[%swap3A_292, %swap3A_293], %swap3A_296 {strides = array<i32>} : memref<128x128xf32, #tpu.memory_space<vmem>>, vector<1x16xf32>,
      %swap3A_297 = arith.index_cast %scan3A_270 : i32 to index
      %swap3A_298 = arith.constant 80 : index
      %swap3A_299 = tpu.vector_load %arg10[%swap3A_297, %swap3A_298] {strides = array<i32>} : memref<128x128xf32, #tpu.memory_space<vmem>>, vector<1x16xf32>,
      %swap3A_300 = vector.shape_cast %swap3A_299 : vector<1x16xf32> to vector<16xf32>
      %swap3A_301 = vector.shape_cast %broadcast_in_dim3A_1 : vector<16xf32> to vector<1x16xf32>
      tpu.vector_store %arg10[%swap3A_297, %swap3A_298], %swap3A_301 {strides = array<i32>} : memref<128x128xf32, #tpu.memory_space<vmem>>, vector<1x16xf32>,
      %swap3A_302 = arith.index_cast %scan3A_270 : i32 to index
      %swap3A_303 = arith.constant 96 : index
      %swap3A_304 = tpu.vector_load %arg10[%swap3A_302, %swap3A_303] {strides = array<i32>} : memref<128x128xf32, #tpu.memory_space<vmem>>, vector<1x16xf32>,
      %swap3A_305 = vector.shape_cast %swap3A_304 : vector<1x16xf32> to vector<16xf32>
      %swap3A_306 = vector.shape_cast %broadcast_in_dim3A_1 : vector<16xf32> to vector<1x16xf32>
      tpu.vector_store %arg10[%swap3A_302, %swap3A_303], %swap3A_306 {strides = array<i32>} : memref<128x128xf32, #tpu.memory_space<vmem>>, vector<1x16xf32>,
      %swap3A_307 = arith.index_cast %scan3A_270 : i32 to index
      %swap3A_308 = arith.constant 112 : index
      %swap3A_309 = tpu.vector_load %arg10[%swap3A_307, %swap3A_308] {strides = array<i32>} : memref<128x128xf32, #tpu.memory_space<vmem>>, vector<1x16xf32>,
      %swap3A_310 = vector.shape_cast %swap3A_309 : vector<1x16xf32> to vector<16xf32>
      %swap3A_311 = vector.shape_cast %broadcast_in_dim3A_1 : vector<16xf32> to vector<1x16xf32>
      tpu.vector_store %arg10[%swap3A_307, %swap3A_308], %swap3A_311 {strides = array<i32>} : memref<128x128xf32, #tpu.memory_space<vmem>>, vector<1x16xf32>,
      %scan3A_312 = arith.constant 0 : i32
      scf.yield %scan3A_312 : i32
    }
    %scan3A_7 = arith.constant 128 : i32
    %mul3A_8 = arith.constant 640 : i32
    %mul3A_9 = arith.muli %arg1, %mul3A_8 : i32
    %add3A_10 = arith.constant 0 : i32
    %add3A_11 = arith.addi %mul3A_9, %add3A_10 : i32
    "tpu.region"() ({
      %run_scoped3A = tpu.sem_alloc : memref<!tpu.dma_semaphore, #tpu.memory_space<semaphore_mem>>
      %dma_start3A_270 = arith.constant 0 : i32
      %dma_start3A_271 = tpu.memref_slice %arg16[%add3A_11, %dma_start3A_270] : memref<10240x128xf32, #tpu.memory_space<vmem_shared>> -> memref<128x128xf32, #tpu.memory_space<vmem_shared>>
      %dma_start3A_272 = arith.constant 0 : i32
      %dma_start3A_273 = tpu.memref_slice %arg16[%add3A_11, %dma_start3A_272] : memref<10240x128xf32, #tpu.memory_space<vmem_shared>> -> memref<128x128xf32, #tpu.memory_space<vmem_shared>>
      tpu.enqueue_dma source(%arg10 : memref<128x128xf32, #tpu.memory_space<vmem>>) target(%dma_start3A_273 : memref<128x128xf32, #tpu.memory_space<vmem_shared>>) target_semaphore(%run_scoped3A : memref<!tpu.dma_semaphore, #tpu.memory_space<semaphore_mem>>)
      %dma_wait3A_274 = arith.constant 0 : i32
      %dma_wait3A_275 = tpu.memref_slice %arg16[%add3A_11, %dma_wait3A_274] : memref<10240x128xf32, #tpu.memory_space<vmem_shared>> -> memref<128x128xf32, #tpu.memory_space<vmem_shared>>
      %dma_wait3A_276 = arith.constant 0 : i32
      %dma_wait3A_277 = tpu.memref_slice %arg16[%add3A_11, %dma_wait3A_276] : memref<10240x128xf32, #tpu.memory_space<vmem_shared>> -> memref<128x128xf32, #tpu.memory_space<vmem_shared>>
      tpu.wait_dma2 semaphore(%run_scoped3A : memref<!tpu.dma_semaphore, #tpu.memory_space<semaphore_mem>>) src(%arg10 : memref<128x128xf32, #tpu.memory_space<vmem>>) dst(%dma_wait3A_277 : memref<128x128xf32, #tpu.memory_space<vmem_shared>>)
      tpu.yield
    }) : () -> ()
    %mul3A_12 = arith.constant 640 : i32
    %mul3A_13 = arith.muli %arg1, %mul3A_12 : i32
    %add3A_14 = arith.constant 128 : i32
    %add3A_15 = arith.addi %mul3A_13, %add3A_14 : i32
    "tpu.region"() ({
      %run_scoped3A = tpu.sem_alloc : memref<!tpu.dma_semaphore, #tpu.memory_space<semaphore_mem>>
      %dma_start3A_270 = arith.constant 0 : i32
      %dma_start3A_271 = tpu.memref_slice %arg16[%add3A_15, %dma_start3A_270] : memref<10240x128xf32, #tpu.memory_space<vmem_shared>> -> memref<128x128xf32, #tpu.memory_space<vmem_shared>>
      %dma_start3A_272 = arith.constant 0 : i32
      %dma_start3A_273 = tpu.memref_slice %arg16[%add3A_15, %dma_start3A_272] : memref<10240x128xf32, #tpu.memory_space<vmem_shared>> -> memref<128x128xf32, #tpu.memory_space<vmem_shared>>
      tpu.enqueue_dma source(%arg10 : memref<128x128xf32, #tpu.memory_space<vmem>>) target(%dma_start3A_273 : memref<128x128xf32, #tpu.memory_space<vmem_shared>>) target_semaphore(%run_scoped3A : memref<!tpu.dma_semaphore, #tpu.memory_space<semaphore_mem>>)
      %dma_wait3A_274 = arith.constant 0 : i32
      %dma_wait3A_275 = tpu.memref_slice %arg16[%add3A_15, %dma_wait3A_274] : memref<10240x128xf32, #tpu.memory_space<vmem_shared>> -> memref<128x128xf32, #tpu.memory_space<vmem_shared>>
      %dma_wait3A_276 = arith.constant 0 : i32
      %dma_wait3A_277 = tpu.memref_slice %arg16[%add3A_15, %dma_wait3A_276] : memref<10240x128xf32, #tpu.memory_space<vmem_shared>> -> memref<128x128xf32, #tpu.memory_space<vmem_shared>>
      tpu.wait_dma2 semaphore(%run_scoped3A : memref<!tpu.dma_semaphore, #tpu.memory_space<semaphore_mem>>) src(%arg10 : memref<128x128xf32, #tpu.memory_space<vmem>>) dst(%dma_wait3A_277 : memref<128x128xf32, #tpu.memory_space<vmem_shared>>)
      tpu.yield
    }) : () -> ()
    %mul3A_16 = arith.constant 640 : i32
    %mul3A_17 = arith.muli %arg1, %mul3A_16 : i32
    %add3A_18 = arith.constant 256 : i32
    %add3A_19 = arith.addi %mul3A_17, %add3A_18 : i32
    "tpu.region"() ({
      %run_scoped3A = tpu.sem_alloc : memref<!tpu.dma_semaphore, #tpu.memory_space<semaphore_mem>>
      %dma_start3A_270 = arith.constant 0 : i32
      %dma_start3A_271 = tpu.memref_slice %arg16[%add3A_19, %dma_start3A_270] : memref<10240x128xf32, #tpu.memory_space<vmem_shared>> -> memref<128x128xf32, #tpu.memory_space<vmem_shared>>
      %dma_start3A_272 = arith.constant 0 : i32
      %dma_start3A_273 = tpu.memref_slice %arg16[%add3A_19, %dma_start3A_272] : memref<10240x128xf32, #tpu.memory_space<vmem_shared>> -> memref<128x128xf32, #tpu.memory_space<vmem_shared>>
      tpu.enqueue_dma source(%arg10 : memref<128x128xf32, #tpu.memory_space<vmem>>) target(%dma_start3A_273 : memref<128x128xf32, #tpu.memory_space<vmem_shared>>) target_semaphore(%run_scoped3A : memref<!tpu.dma_semaphore, #tpu.memory_space<semaphore_mem>>)
      %dma_wait3A_274 = arith.constant 0 : i32
      %dma_wait3A_275 = tpu.memref_slice %arg16[%add3A_19, %dma_wait3A_274] : memref<10240x128xf32, #tpu.memory_space<vmem_shared>> -> memref<128x128xf32, #tpu.memory_space<vmem_shared>>
      %dma_wait3A_276 = arith.constant 0 : i32
      %dma_wait3A_277 = tpu.memref_slice %arg16[%add3A_19, %dma_wait3A_276] : memref<10240x128xf32, #tpu.memory_space<vmem_shared>> -> memref<128x128xf32, #tpu.memory_space<vmem_shared>>
      tpu.wait_dma2 semaphore(%run_scoped3A : memref<!tpu.dma_semaphore, #tpu.memory_space<semaphore_mem>>) src(%arg10 : memref<128x128xf32, #tpu.memory_space<vmem>>) dst(%dma_wait3A_277 : memref<128x128xf32, #tpu.memory_space<vmem_shared>>)
      tpu.yield
    }) : () -> ()
    %mul3A_20 = arith.constant 640 : i32
    %mul3A_21 = arith.muli %arg1, %mul3A_20 : i32
    %add3A_22 = arith.constant 384 : i32
    %add3A_23 = arith.addi %mul3A_21, %add3A_22 : i32
    "tpu.region"() ({
      %run_scoped3A = tpu.sem_alloc : memref<!tpu.dma_semaphore, #tpu.memory_space<semaphore_mem>>
      %dma_start3A_270 = arith.constant 0 : i32
      %dma_start3A_271 = tpu.memref_slice %arg16[%add3A_23, %dma_start3A_270] : memref<10240x128xf32, #tpu.memory_space<vmem_shared>> -> memref<128x128xf32, #tpu.memory_space<vmem_shared>>
      %dma_start3A_272 = arith.constant 0 : i32
      %dma_start3A_273 = tpu.memref_slice %arg16[%add3A_23, %dma_start3A_272] : memref<10240x128xf32, #tpu.memory_space<vmem_shared>> -> memref<128x128xf32, #tpu.memory_space<vmem_shared>>
      tpu.enqueue_dma source(%arg10 : memref<128x128xf32, #tpu.memory_space<vmem>>) target(%dma_start3A_273 : memref<128x128xf32, #tpu.memory_space<vmem_shared>>) target_semaphore(%run_scoped3A : memref<!tpu.dma_semaphore, #tpu.memory_space<semaphore_mem>>)
      %dma_wait3A_274 = arith.constant 0 : i32
      %dma_wait3A_275 = tpu.memref_slice %arg16[%add3A_23, %dma_wait3A_274] : memref<10240x128xf32, #tpu.memory_space<vmem_shared>> -> memref<128x128xf32, #tpu.memory_space<vmem_shared>>
      %dma_wait3A_276 = arith.constant 0 : i32
      %dma_wait3A_277 = tpu.memref_slice %arg16[%add3A_23, %dma_wait3A_276] : memref<10240x128xf32, #tpu.memory_space<vmem_shared>> -> memref<128x128xf32, #tpu.memory_space<vmem_shared>>
      tpu.wait_dma2 semaphore(%run_scoped3A : memref<!tpu.dma_semaphore, #tpu.memory_space<semaphore_mem>>) src(%arg10 : memref<128x128xf32, #tpu.memory_space<vmem>>) dst(%dma_wait3A_277 : memref<128x128xf32, #tpu.memory_space<vmem_shared>>)
      tpu.yield
    }) : () -> ()
    %mul3A_24 = arith.constant 640 : i32
    %mul3A_25 = arith.muli %arg1, %mul3A_24 : i32
    %add3A_26 = arith.constant 512 : i32
    %add3A_27 = arith.addi %mul3A_25, %add3A_26 : i32
    "tpu.region"() ({
      %run_scoped3A = tpu.sem_alloc : memref<!tpu.dma_semaphore, #tpu.memory_space<semaphore_mem>>
      %dma_start3A_270 = arith.constant 0 : i32
      %dma_start3A_271 = tpu.memref_slice %arg16[%add3A_27, %dma_start3A_270] : memref<10240x128xf32, #tpu.memory_space<vmem_shared>> -> memref<128x128xf32, #tpu.memory_space<vmem_shared>>
      %dma_start3A_272 = arith.constant 0 : i32
      %dma_start3A_273 = tpu.memref_slice %arg16[%add3A_27, %dma_start3A_272] : memref<10240x128xf32, #tpu.memory_space<vmem_shared>> -> memref<128x128xf32, #tpu.memory_space<vmem_shared>>
      tpu.enqueue_dma source(%arg10 : memref<128x128xf32, #tpu.memory_space<vmem>>) target(%dma_start3A_273 : memref<128x128xf32, #tpu.memory_space<vmem_shared>>) target_semaphore(%run_scoped3A : memref<!tpu.dma_semaphore, #tpu.memory_space<semaphore_mem>>)
      %dma_wait3A_274 = arith.constant 0 : i32
      %dma_wait3A_275 = tpu.memref_slice %arg16[%add3A_27, %dma_wait3A_274] : memref<10240x128xf32, #tpu.memory_space<vmem_shared>> -> memref<128x128xf32, #tpu.memory_space<vmem_shared>>
      %dma_wait3A_276 = arith.constant 0 : i32
      %dma_wait3A_277 = tpu.memref_slice %arg16[%add3A_27, %dma_wait3A_276] : memref<10240x128xf32, #tpu.memory_space<vmem_shared>> -> memref<128x128xf32, #tpu.memory_space<vmem_shared>>
      tpu.wait_dma2 semaphore(%run_scoped3A : memref<!tpu.dma_semaphore, #tpu.memory_space<semaphore_mem>>) src(%arg10 : memref<128x128xf32, #tpu.memory_space<vmem>>) dst(%dma_wait3A_277 : memref<128x128xf32, #tpu.memory_space<vmem_shared>>)
      tpu.yield
    }) : () -> ()
    %get3A = arith.constant 0 : i32
    %get3A_28 = arith.index_cast %get3A : i32 to index
    %get3A_29 = arith.constant 0 : index
    %get3A_30 = tpu.vector_load %arg5[%get3A_28, %get3A_29] {strides = array<i32>} : memref<80x128xi32, #tpu.memory_space<vmem>>, vector<1x16xi32>,
    %get3A_31 = vector.shape_cast %get3A_30 : vector<1x16xi32> to vector<16xi32>
    %shift_right_arithmetic3A = arith.constant 14 : i32
    %shift_right_arithmetic3A_32 = vector.broadcast %shift_right_arithmetic3A : i32 to vector<16xi32>
    %shift_right_arithmetic3A_33 = arith.shrsi %get3A_31, %shift_right_arithmetic3A_32 : vector<16xi32>
    %swap3A = arith.constant 0 : index
    %swap3A_34 = tpu.vector_load %arg6[%swap3A] {strides = array<i32>} : memref<128xi32, #tpu.memory_space<vmem>>, vector<16xi32>,
    %swap3A_35 = vector.shape_cast %swap3A_34 : vector<16xi32> to vector<16xi32>
    %swap3A_36 = vector.shape_cast %shift_right_arithmetic3A_33 : vector<16xi32> to vector<16xi32>
    tpu.vector_store %arg6[%swap3A], %swap3A_36 {strides = array<i32>} : memref<128xi32, #tpu.memory_space<vmem>>, vector<16xi32>,
    %get3A_37 = arith.constant 0 : i32
    %get3A_38 = arith.index_cast %get3A_37 : i32 to index
    %get3A_39 = arith.constant 16 : index
    %get3A_40 = tpu.vector_load %arg5[%get3A_38, %get3A_39] {strides = array<i32>} : memref<80x128xi32, #tpu.memory_space<vmem>>, vector<1x16xi32>,
    %get3A_41 = vector.shape_cast %get3A_40 : vector<1x16xi32> to vector<16xi32>
    %shift_right_arithmetic3A_42 = arith.constant 14 : i32
    %shift_right_arithmetic3A_43 = vector.broadcast %shift_right_arithmetic3A_42 : i32 to vector<16xi32>
    %shift_right_arithmetic3A_44 = arith.shrsi %get3A_41, %shift_right_arithmetic3A_43 : vector<16xi32>
    %swap3A_45 = arith.constant 16 : index
    %swap3A_46 = tpu.vector_load %arg6[%swap3A_45] {strides = array<i32>} : memref<128xi32, #tpu.memory_space<vmem>>, vector<16xi32>,
    %swap3A_47 = vector.shape_cast %swap3A_46 : vector<16xi32> to vector<16xi32>
    %swap3A_48 = vector.shape_cast %shift_right_arithmetic3A_44 : vector<16xi32> to vector<16xi32>
    tpu.vector_store %arg6[%swap3A_45], %swap3A_48 {strides = array<i32>} : memref<128xi32, #tpu.memory_space<vmem>>, vector<16xi32>,
    %get3A_49 = arith.constant 0 : i32
    %get3A_50 = arith.index_cast %get3A_49 : i32 to index
    %get3A_51 = arith.constant 32 : index
    %get3A_52 = tpu.vector_load %arg5[%get3A_50, %get3A_51] {strides = array<i32>} : memref<80x128xi32, #tpu.memory_space<vmem>>, vector<1x16xi32>,
    %get3A_53 = vector.shape_cast %get3A_52 : vector<1x16xi32> to vector<16xi32>
    %shift_right_arithmetic3A_54 = arith.constant 14 : i32
    %shift_right_arithmetic3A_55 = vector.broadcast %shift_right_arithmetic3A_54 : i32 to vector<16xi32>
    %shift_right_arithmetic3A_56 = arith.shrsi %get3A_53, %shift_right_arithmetic3A_55 : vector<16xi32>
    %swap3A_57 = arith.constant 32 : index
    %swap3A_58 = tpu.vector_load %arg6[%swap3A_57] {strides = array<i32>} : memref<128xi32, #tpu.memory_space<vmem>>, vector<16xi32>,
    %swap3A_59 = vector.shape_cast %swap3A_58 : vector<16xi32> to vector<16xi32>
    %swap3A_60 = vector.shape_cast %shift_right_arithmetic3A_56 : vector<16xi32> to vector<16xi32>
    tpu.vector_store %arg6[%swap3A_57], %swap3A_60 {strides = array<i32>} : memref<128xi32, #tpu.memory_space<vmem>>, vector<16xi32>,
    %get3A_61 = arith.constant 0 : i32
    %get3A_62 = arith.index_cast %get3A_61 : i32 to index
    %get3A_63 = arith.constant 48 : index
    %get3A_64 = tpu.vector_load %arg5[%get3A_62, %get3A_63] {strides = array<i32>} : memref<80x128xi32, #tpu.memory_space<vmem>>, vector<1x16xi32>,
    %get3A_65 = vector.shape_cast %get3A_64 : vector<1x16xi32> to vector<16xi32>
    %shift_right_arithmetic3A_66 = arith.constant 14 : i32
    %shift_right_arithmetic3A_67 = vector.broadcast %shift_right_arithmetic3A_66 : i32 to vector<16xi32>
    %shift_right_arithmetic3A_68 = arith.shrsi %get3A_65, %shift_right_arithmetic3A_67 : vector<16xi32>
    %swap3A_69 = arith.constant 48 : index
    %swap3A_70 = tpu.vector_load %arg6[%swap3A_69] {strides = array<i32>} : memref<128xi32, #tpu.memory_space<vmem>>, vector<16xi32>,
    %swap3A_71 = vector.shape_cast %swap3A_70 : vector<16xi32> to vector<16xi32>
    %swap3A_72 = vector.shape_cast %shift_right_arithmetic3A_68 : vector<16xi32> to vector<16xi32>
    tpu.vector_store %arg6[%swap3A_69], %swap3A_72 {strides = array<i32>} : memref<128xi32, #tpu.memory_space<vmem>>, vector<16xi32>,
    %get3A_73 = arith.constant 0 : i32
    %get3A_74 = arith.index_cast %get3A_73 : i32 to index
    %get3A_75 = arith.constant 64 : index
    %get3A_76 = tpu.vector_load %arg5[%get3A_74, %get3A_75] {strides = array<i32>} : memref<80x128xi32, #tpu.memory_space<vmem>>, vector<1x16xi32>,
    %get3A_77 = vector.shape_cast %get3A_76 : vector<1x16xi32> to vector<16xi32>
    %shift_right_arithmetic3A_78 = arith.constant 14 : i32
    %shift_right_arithmetic3A_79 = vector.broadcast %shift_right_arithmetic3A_78 : i32 to vector<16xi32>
    %shift_right_arithmetic3A_80 = arith.shrsi %get3A_77, %shift_right_arithmetic3A_79 : vector<16xi32>
    %swap3A_81 = arith.constant 64 : index
    %swap3A_82 = tpu.vector_load %arg6[%swap3A_81] {strides = array<i32>} : memref<128xi32, #tpu.memory_space<vmem>>, vector<16xi32>,
    %swap3A_83 = vector.shape_cast %swap3A_82 : vector<16xi32> to vector<16xi32>
    %swap3A_84 = vector.shape_cast %shift_right_arithmetic3A_80 : vector<16xi32> to vector<16xi32>
    tpu.vector_store %arg6[%swap3A_81], %swap3A_84 {strides = array<i32>} : memref<128xi32, #tpu.memory_space<vmem>>, vector<16xi32>,
    %get3A_85 = arith.constant 0 : i32
    %get3A_86 = arith.index_cast %get3A_85 : i32 to index
    %get3A_87 = arith.constant 80 : index
    %get3A_88 = tpu.vector_load %arg5[%get3A_86, %get3A_87] {strides = array<i32>} : memref<80x128xi32, #tpu.memory_space<vmem>>, vector<1x16xi32>,
    %get3A_89 = vector.shape_cast %get3A_88 : vector<1x16xi32> to vector<16xi32>
    %shift_right_arithmetic3A_90 = arith.constant 14 : i32
    %shift_right_arithmetic3A_91 = vector.broadcast %shift_right_arithmetic3A_90 : i32 to vector<16xi32>
    %shift_right_arithmetic3A_92 = arith.shrsi %get3A_89, %shift_right_arithmetic3A_91 : vector<16xi32>
    %swap3A_93 = arith.constant 80 : index
    %swap3A_94 = tpu.vector_load %arg6[%swap3A_93] {strides = array<i32>} : memref<128xi32, #tpu.memory_space<vmem>>, vector<16xi32>,
    %swap3A_95 = vector.shape_cast %swap3A_94 : vector<16xi32> to vector<16xi32>
    %swap3A_96 = vector.shape_cast %shift_right_arithmetic3A_92 : vector<16xi32> to vector<16xi32>
    tpu.vector_store %arg6[%swap3A_93], %swap3A_96 {strides = array<i32>} : memref<128xi32, #tpu.memory_space<vmem>>, vector<16xi32>,
    %get3A_97 = arith.constant 0 : i32
    %get3A_98 = arith.index_cast %get3A_97 : i32 to index
    %get3A_99 = arith.constant 96 : index
    %get3A_100 = tpu.vector_load %arg5[%get3A_98, %get3A_99] {strides = array<i32>} : memref<80x128xi32, #tpu.memory_space<vmem>>, vector<1x16xi32>,
    %get3A_101 = vector.shape_cast %get3A_100 : vector<1x16xi32> to vector<16xi32>
    %shift_right_arithmetic3A_102 = arith.constant 14 : i32
    %shift_right_arithmetic3A_103 = vector.broadcast %shift_right_arithmetic3A_102 : i32 to vector<16xi32>
    %shift_right_arithmetic3A_104 = arith.shrsi %get3A_101, %shift_right_arithmetic3A_103 : vector<16xi32>
    %swap3A_105 = arith.constant 96 : index
    %swap3A_106 = tpu.vector_load %arg6[%swap3A_105] {strides = array<i32>} : memref<128xi32, #tpu.memory_space<vmem>>, vector<16xi32>,
    %swap3A_107 = vector.shape_cast %swap3A_106 : vector<16xi32> to vector<16xi32>
    %swap3A_108 = vector.shape_cast %shift_right_arithmetic3A_104 : vector<16xi32> to vector<16xi32>
    tpu.vector_store %arg6[%swap3A_105], %swap3A_108 {strides = array<i32>} : memref<128xi32, #tpu.memory_space<vmem>>, vector<16xi32>,
    %get3A_109 = arith.constant 0 : i32
    %get3A_110 = arith.index_cast %get3A_109 : i32 to index
    %get3A_111 = arith.constant 112 : index
    %get3A_112 = tpu.vector_load %arg5[%get3A_110, %get3A_111] {strides = array<i32>} : memref<80x128xi32, #tpu.memory_space<vmem>>, vector<1x16xi32>,
    %get3A_113 = vector.shape_cast %get3A_112 : vector<1x16xi32> to vector<16xi32>
    %shift_right_arithmetic3A_114 = arith.constant 14 : i32
    %shift_right_arithmetic3A_115 = vector.broadcast %shift_right_arithmetic3A_114 : i32 to vector<16xi32>
    %shift_right_arithmetic3A_116 = arith.shrsi %get3A_113, %shift_right_arithmetic3A_115 : vector<16xi32>
    %swap3A_117 = arith.constant 112 : index
    %swap3A_118 = tpu.vector_load %arg6[%swap3A_117] {strides = array<i32>} : memref<128xi32, #tpu.memory_space<vmem>>, vector<16xi32>,
    %swap3A_119 = vector.shape_cast %swap3A_118 : vector<16xi32> to vector<16xi32>
    %swap3A_120 = vector.shape_cast %shift_right_arithmetic3A_116 : vector<16xi32> to vector<16xi32>
    tpu.vector_store %arg6[%swap3A_117], %swap3A_120 {strides = array<i32>} : memref<128xi32, #tpu.memory_space<vmem>>, vector<16xi32>,
    %dma_start3A = arith.constant 0 : i32
    %dma_start3A_121 = arith.constant 0 : i32
    %dma_start3A_122 = tpu.memref_slice %arg2[%dma_start3A, %dma_start3A_121] : memref<10240x128xf32, #tpu.memory_space<hbm>> -> memref<10240x128xf32, #tpu.memory_space<hbm>>
    tpu.enqueue_indirect_dma source(%dma_start3A_122 : memref<10240x128xf32, #tpu.memory_space<hbm>>) target(%arg10 : memref<128x128xf32, #tpu.memory_space<vmem>>) offsets(%arg6 : memref<128xi32, #tpu.memory_space<vmem>>) semaphore(%arg12 : memref<!tpu.dma_semaphore, #tpu.memory_space<semaphore_mem>>)
    %get3A_123 = arith.constant 1 : i32
    %get3A_124 = arith.index_cast %get3A_123 : i32 to index
    %get3A_125 = arith.constant 0 : index
    %get3A_126 = tpu.vector_load %arg5[%get3A_124, %get3A_125] {strides = array<i32>} : memref<80x128xi32, #tpu.memory_space<vmem>>, vector<1x16xi32>,
    %get3A_127 = vector.shape_cast %get3A_126 : vector<1x16xi32> to vector<16xi32>
    %shift_right_arithmetic3A_128 = arith.constant 14 : i32
    %shift_right_arithmetic3A_129 = vector.broadcast %shift_right_arithmetic3A_128 : i32 to vector<16xi32>
    %shift_right_arithmetic3A_130 = arith.shrsi %get3A_127, %shift_right_arithmetic3A_129 : vector<16xi32>
    %swap3A_131 = arith.constant 0 : index
    %swap3A_132 = tpu.vector_load %arg7[%swap3A_131] {strides = array<i32>} : memref<128xi32, #tpu.memory_space<vmem>>, vector<16xi32>,
    %swap3A_133 = vector.shape_cast %swap3A_132 : vector<16xi32> to vector<16xi32>
    %swap3A_134 = vector.shape_cast %shift_right_arithmetic3A_130 : vector<16xi32> to vector<16xi32>
    tpu.vector_store %arg7[%swap3A_131], %swap3A_134 {strides = array<i32>} : memref<128xi32, #tpu.memory_space<vmem>>, vector<16xi32>,
    %get3A_135 = arith.constant 1 : i32
    %get3A_136 = arith.index_cast %get3A_135 : i32 to index
    %get3A_137 = arith.constant 16 : index
    %get3A_138 = tpu.vector_load %arg5[%get3A_136, %get3A_137] {strides = array<i32>} : memref<80x128xi32, #tpu.memory_space<vmem>>, vector<1x16xi32>,
    %get3A_139 = vector.shape_cast %get3A_138 : vector<1x16xi32> to vector<16xi32>
    %shift_right_arithmetic3A_140 = arith.constant 14 : i32
    %shift_right_arithmetic3A_141 = vector.broadcast %shift_right_arithmetic3A_140 : i32 to vector<16xi32>
    %shift_right_arithmetic3A_142 = arith.shrsi %get3A_139, %shift_right_arithmetic3A_141 : vector<16xi32>
    %swap3A_143 = arith.constant 16 : index
    %swap3A_144 = tpu.vector_load %arg7[%swap3A_143] {strides = array<i32>} : memref<128xi32, #tpu.memory_space<vmem>>, vector<16xi32>,
    %swap3A_145 = vector.shape_cast %swap3A_144 : vector<16xi32> to vector<16xi32>
    %swap3A_146 = vector.shape_cast %shift_right_arithmetic3A_142 : vector<16xi32> to vector<16xi32>
    tpu.vector_store %arg7[%swap3A_143], %swap3A_146 {strides = array<i32>} : memref<128xi32, #tpu.memory_space<vmem>>, vector<16xi32>,
    %get3A_147 = arith.constant 1 : i32
    %get3A_148 = arith.index_cast %get3A_147 : i32 to index
    %get3A_149 = arith.constant 32 : index
    %get3A_150 = tpu.vector_load %arg5[%get3A_148, %get3A_149] {strides = array<i32>} : memref<80x128xi32, #tpu.memory_space<vmem>>, vector<1x16xi32>,
    %get3A_151 = vector.shape_cast %get3A_150 : vector<1x16xi32> to vector<16xi32>
    %shift_right_arithmetic3A_152 = arith.constant 14 : i32
    %shift_right_arithmetic3A_153 = vector.broadcast %shift_right_arithmetic3A_152 : i32 to vector<16xi32>
    %shift_right_arithmetic3A_154 = arith.shrsi %get3A_151, %shift_right_arithmetic3A_153 : vector<16xi32>
    %swap3A_155 = arith.constant 32 : index
    %swap3A_156 = tpu.vector_load %arg7[%swap3A_155] {strides = array<i32>} : memref<128xi32, #tpu.memory_space<vmem>>, vector<16xi32>,
    %swap3A_157 = vector.shape_cast %swap3A_156 : vector<16xi32> to vector<16xi32>
    %swap3A_158 = vector.shape_cast %shift_right_arithmetic3A_154 : vector<16xi32> to vector<16xi32>
    tpu.vector_store %arg7[%swap3A_155], %swap3A_158 {strides = array<i32>} : memref<128xi32, #tpu.memory_space<vmem>>, vector<16xi32>,
    %get3A_159 = arith.constant 1 : i32
    %get3A_160 = arith.index_cast %get3A_159 : i32 to index
    %get3A_161 = arith.constant 48 : index
    %get3A_162 = tpu.vector_load %arg5[%get3A_160, %get3A_161] {strides = array<i32>} : memref<80x128xi32, #tpu.memory_space<vmem>>, vector<1x16xi32>,
    %get3A_163 = vector.shape_cast %get3A_162 : vector<1x16xi32> to vector<16xi32>
    %shift_right_arithmetic3A_164 = arith.constant 14 : i32
    %shift_right_arithmetic3A_165 = vector.broadcast %shift_right_arithmetic3A_164 : i32 to vector<16xi32>
    %shift_right_arithmetic3A_166 = arith.shrsi %get3A_163, %shift_right_arithmetic3A_165 : vector<16xi32>
    %swap3A_167 = arith.constant 48 : index
    %swap3A_168 = tpu.vector_load %arg7[%swap3A_167] {strides = array<i32>} : memref<128xi32, #tpu.memory_space<vmem>>, vector<16xi32>,
    %swap3A_169 = vector.shape_cast %swap3A_168 : vector<16xi32> to vector<16xi32>
    %swap3A_170 = vector.shape_cast %shift_right_arithmetic3A_166 : vector<16xi32> to vector<16xi32>
    tpu.vector_store %arg7[%swap3A_167], %swap3A_170 {strides = array<i32>} : memref<128xi32, #tpu.memory_space<vmem>>, vector<16xi32>,
    %get3A_171 = arith.constant 1 : i32
    %get3A_172 = arith.index_cast %get3A_171 : i32 to index
    %get3A_173 = arith.constant 64 : index
    %get3A_174 = tpu.vector_load %arg5[%get3A_172, %get3A_173] {strides = array<i32>} : memref<80x128xi32, #tpu.memory_space<vmem>>, vector<1x16xi32>,
    %get3A_175 = vector.shape_cast %get3A_174 : vector<1x16xi32> to vector<16xi32>
    %shift_right_arithmetic3A_176 = arith.constant 14 : i32
    %shift_right_arithmetic3A_177 = vector.broadcast %shift_right_arithmetic3A_176 : i32 to vector<16xi32>
    %shift_right_arithmetic3A_178 = arith.shrsi %get3A_175, %shift_right_arithmetic3A_177 : vector<16xi32>
    %swap3A_179 = arith.constant 64 : index
    %swap3A_180 = tpu.vector_load %arg7[%swap3A_179] {strides = array<i32>} : memref<128xi32, #tpu.memory_space<vmem>>, vector<16xi32>,
    %swap3A_181 = vector.shape_cast %swap3A_180 : vector<16xi32> to vector<16xi32>
    %swap3A_182 = vector.shape_cast %shift_right_arithmetic3A_178 : vector<16xi32> to vector<16xi32>
    tpu.vector_store %arg7[%swap3A_179], %swap3A_182 {strides = array<i32>} : memref<128xi32, #tpu.memory_space<vmem>>, vector<16xi32>,
    %get3A_183 = arith.constant 1 : i32
    %get3A_184 = arith.index_cast %get3A_183 : i32 to index
    %get3A_185 = arith.constant 80 : index
    %get3A_186 = tpu.vector_load %arg5[%get3A_184, %get3A_185] {strides = array<i32>} : memref<80x128xi32, #tpu.memory_space<vmem>>, vector<1x16xi32>,
    %get3A_187 = vector.shape_cast %get3A_186 : vector<1x16xi32> to vector<16xi32>
    %shift_right_arithmetic3A_188 = arith.constant 14 : i32
    %shift_right_arithmetic3A_189 = vector.broadcast %shift_right_arithmetic3A_188 : i32 to vector<16xi32>
    %shift_right_arithmetic3A_190 = arith.shrsi %get3A_187, %shift_right_arithmetic3A_189 : vector<16xi32>
    %swap3A_191 = arith.constant 80 : index
    %swap3A_192 = tpu.vector_load %arg7[%swap3A_191] {strides = array<i32>} : memref<128xi32, #tpu.memory_space<vmem>>, vector<16xi32>,
    %swap3A_193 = vector.shape_cast %swap3A_192 : vector<16xi32> to vector<16xi32>
    %swap3A_194 = vector.shape_cast %shift_right_arithmetic3A_190 : vector<16xi32> to vector<16xi32>
    tpu.vector_store %arg7[%swap3A_191], %swap3A_194 {strides = array<i32>} : memref<128xi32, #tpu.memory_space<vmem>>, vector<16xi32>,
    %get3A_195 = arith.constant 1 : i32
    %get3A_196 = arith.index_cast %get3A_195 : i32 to index
    %get3A_197 = arith.constant 96 : index
    %get3A_198 = tpu.vector_load %arg5[%get3A_196, %get3A_197] {strides = array<i32>} : memref<80x128xi32, #tpu.memory_space<vmem>>, vector<1x16xi32>,
    %get3A_199 = vector.shape_cast %get3A_198 : vector<1x16xi32> to vector<16xi32>
    %shift_right_arithmetic3A_200 = arith.constant 14 : i32
    %shift_right_arithmetic3A_201 = vector.broadcast %shift_right_arithmetic3A_200 : i32 to vector<16xi32>
    %shift_right_arithmetic3A_202 = arith.shrsi %get3A_199, %shift_right_arithmetic3A_201 : vector<16xi32>
    %swap3A_203 = arith.constant 96 : index
    %swap3A_204 = tpu.vector_load %arg7[%swap3A_203] {strides = array<i32>} : memref<128xi32, #tpu.memory_space<vmem>>, vector<16xi32>,
    %swap3A_205 = vector.shape_cast %swap3A_204 : vector<16xi32> to vector<16xi32>
    %swap3A_206 = vector.shape_cast %shift_right_arithmetic3A_202 : vector<16xi32> to vector<16xi32>
    tpu.vector_store %arg7[%swap3A_203], %swap3A_206 {strides = array<i32>} : memref<128xi32, #tpu.memory_space<vmem>>, vector<16xi32>,
    %get3A_207 = arith.constant 1 : i32
    %get3A_208 = arith.index_cast %get3A_207 : i32 to index
    %get3A_209 = arith.constant 112 : index
    %get3A_210 = tpu.vector_load %arg5[%get3A_208, %get3A_209] {strides = array<i32>} : memref<80x128xi32, #tpu.memory_space<vmem>>, vector<1x16xi32>,
    %get3A_211 = vector.shape_cast %get3A_210 : vector<1x16xi32> to vector<16xi32>
    %shift_right_arithmetic3A_212 = arith.constant 14 : i32
    %shift_right_arithmetic3A_213 = vector.broadcast %shift_right_arithmetic3A_212 : i32 to vector<16xi32>
    %shift_right_arithmetic3A_214 = arith.shrsi %get3A_211, %shift_right_arithmetic3A_213 : vector<16xi32>
    %swap3A_215 = arith.constant 112 : index
    %swap3A_216 = tpu.vector_load %arg7[%swap3A_215] {strides = array<i32>} : memref<128xi32, #tpu.memory_space<vmem>>, vector<16xi32>,
    %swap3A_217 = vector.shape_cast %swap3A_216 : vector<16xi32> to vector<16xi32>
    %swap3A_218 = vector.shape_cast %shift_right_arithmetic3A_214 : vector<16xi32> to vector<16xi32>
    tpu.vector_store %arg7[%swap3A_215], %swap3A_218 {strides = array<i32>} : memref<128xi32, #tpu.memory_space<vmem>>, vector<16xi32>,
    %dma_start3A_219 = arith.constant 0 : i32
    %dma_start3A_220 = arith.constant 0 : i32
    %dma_start3A_221 = tpu.memref_slice %arg2[%dma_start3A_219, %dma_start3A_220] : memref<10240x128xf32, #tpu.memory_space<hbm>> -> memref<10240x128xf32, #tpu.memory_space<hbm>>
    tpu.enqueue_indirect_dma source(%dma_start3A_221 : memref<10240x128xf32, #tpu.memory_space<hbm>>) target(%arg11 : memref<128x128xf32, #tpu.memory_space<vmem>>) offsets(%arg7 : memref<128xi32, #tpu.memory_space<vmem>>) semaphore(%arg13 : memref<!tpu.dma_semaphore, #tpu.memory_space<semaphore_mem>>)
    %barrier3A = arith.constant 0 : index
    tpu.barrier barrier_id(%barrier3A)
    %scan3A_222 = arith.constant 0 : i32
    %scan3A_223 = arith.constant 0 : i32
    %scan3A_224 = arith.constant 40 : i32
    %scan3A_225 = arith.addi %scan3A_223, %scan3A_224 : i32
    %scan3A_226 = arith.constant 1 : i32
    %scan3A_227 = scf.for %scan3A_270 = %scan3A_223 to %scan3A_225 step %scan3A_226 iter_args(%scan3A_271 = %scan3A_222) -> (i32)  : i32 {
      %mul3A_272 = arith.constant 2 : i32
      %mul3A_273 = arith.muli %mul3A_272, %scan3A_270 : i32
      %mul3A_274 = arith.constant 2 : i32
      %mul3A_275 = arith.muli %mul3A_274, %scan3A_270 : i32
      %add3A_276 = arith.constant 1 : i32
      %add3A_277 = arith.addi %mul3A_275, %add3A_276 : i32
      %dma_wait3A_278 = arith.constant 0 : i32
      %dma_wait3A_279 = arith.constant 0 : i32
      %dma_wait3A_280 = tpu.memref_slice %arg2[%dma_wait3A_278, %dma_wait3A_279] : memref<10240x128xf32, #tpu.memory_space<hbm>> -> memref<10240x128xf32, #tpu.memory_space<hbm>>
      tpu.wait_indirect_dma semaphore(%arg12 : memref<!tpu.dma_semaphore, #tpu.memory_space<semaphore_mem>>) src(%dma_wait3A_280 : memref<10240x128xf32, #tpu.memory_space<hbm>>) dst(%arg10 : memref<128x128xf32, #tpu.memory_space<vmem>>)
      %get3A_281 = arith.index_cast %mul3A_273 : i32 to index
      %get3A_282 = arith.constant 0 : index
      %get3A_283 = tpu.vector_load %arg5[%get3A_281, %get3A_282] {strides = array<i32>} : memref<80x128xi32, #tpu.memory_space<vmem>>, vector<1x16xi32>,
      %get3A_284 = vector.shape_cast %get3A_283 : vector<1x16xi32> to vector<16xi32>
      %and3A = arith.constant 16383 : i32
      %and3A_285 = vector.broadcast %and3A : i32 to vector<16xi32>
      %and3A_286 = arith.andi %get3A_284, %and3A_285 : vector<16xi32>
      %swap3A_287 = arith.constant 0 : index
      %swap3A_288 = tpu.vector_load %arg8[%swap3A_287] {strides = array<i32>} : memref<128xi32, #tpu.memory_space<vmem>>, vector<16xi32>,
      %swap3A_289 = vector.shape_cast %swap3A_288 : vector<16xi32> to vector<16xi32>
      %swap3A_290 = vector.shape_cast %and3A_286 : vector<16xi32> to vector<16xi32>
      tpu.vector_store %arg8[%swap3A_287], %swap3A_290 {strides = array<i32>} : memref<128xi32, #tpu.memory_space<vmem>>, vector<16xi32>,
      %get3A_291 = arith.index_cast %mul3A_273 : i32 to index
      %get3A_292 = arith.constant 16 : index
      %get3A_293 = tpu.vector_load %arg5[%get3A_291, %get3A_292] {strides = array<i32>} : memref<80x128xi32, #tpu.memory_space<vmem>>, vector<1x16xi32>,
      %get3A_294 = vector.shape_cast %get3A_293 : vector<1x16xi32> to vector<16xi32>
      %and3A_295 = arith.constant 16383 : i32
      %and3A_296 = vector.broadcast %and3A_295 : i32 to vector<16xi32>
      %and3A_297 = arith.andi %get3A_294, %and3A_296 : vector<16xi32>
      %swap3A_298 = arith.constant 16 : index
      %swap3A_299 = tpu.vector_load %arg8[%swap3A_298] {strides = array<i32>} : memref<128xi32, #tpu.memory_space<vmem>>, vector<16xi32>,
      %swap3A_300 = vector.shape_cast %swap3A_299 : vector<16xi32> to vector<16xi32>
      %swap3A_301 = vector.shape_cast %and3A_297 : vector<16xi32> to vector<16xi32>
      tpu.vector_store %arg8[%swap3A_298], %swap3A_301 {strides = array<i32>} : memref<128xi32, #tpu.memory_space<vmem>>, vector<16xi32>,
      %get3A_302 = arith.index_cast %mul3A_273 : i32 to index
      %get3A_303 = arith.constant 32 : index
      %get3A_304 = tpu.vector_load %arg5[%get3A_302, %get3A_303] {strides = array<i32>} : memref<80x128xi32, #tpu.memory_space<vmem>>, vector<1x16xi32>,
      %get3A_305 = vector.shape_cast %get3A_304 : vector<1x16xi32> to vector<16xi32>
      %and3A_306 = arith.constant 16383 : i32
      %and3A_307 = vector.broadcast %and3A_306 : i32 to vector<16xi32>
      %and3A_308 = arith.andi %get3A_305, %and3A_307 : vector<16xi32>
      %swap3A_309 = arith.constant 32 : index
      %swap3A_310 = tpu.vector_load %arg8[%swap3A_309] {strides = array<i32>} : memref<128xi32, #tpu.memory_space<vmem>>, vector<16xi32>,
      %swap3A_311 = vector.shape_cast %swap3A_310 : vector<16xi32> to vector<16xi32>
      %swap3A_312 = vector.shape_cast %and3A_308 : vector<16xi32> to vector<16xi32>
      tpu.vector_store %arg8[%swap3A_309], %swap3A_312 {strides = array<i32>} : memref<128xi32, #tpu.memory_space<vmem>>, vector<16xi32>,
      %get3A_313 = arith.index_cast %mul3A_273 : i32 to index
      %get3A_314 = arith.constant 48 : index
      %get3A_315 = tpu.vector_load %arg5[%get3A_313, %get3A_314] {strides = array<i32>} : memref<80x128xi32, #tpu.memory_space<vmem>>, vector<1x16xi32>,
      %get3A_316 = vector.shape_cast %get3A_315 : vector<1x16xi32> to vector<16xi32>
      %and3A_317 = arith.constant 16383 : i32
      %and3A_318 = vector.broadcast %and3A_317 : i32 to vector<16xi32>
      %and3A_319 = arith.andi %get3A_316, %and3A_318 : vector<16xi32>
      %swap3A_320 = arith.constant 48 : index
      %swap3A_321 = tpu.vector_load %arg8[%swap3A_320] {strides = array<i32>} : memref<128xi32, #tpu.memory_space<vmem>>, vector<16xi32>,
      %swap3A_322 = vector.shape_cast %swap3A_321 : vector<16xi32> to vector<16xi32>
      %swap3A_323 = vector.shape_cast %and3A_319 : vector<16xi32> to vector<16xi32>
      tpu.vector_store %arg8[%swap3A_320], %swap3A_323 {strides = array<i32>} : memref<128xi32, #tpu.memory_space<vmem>>, vector<16xi32>,
      %get3A_324 = arith.index_cast %mul3A_273 : i32 to index
      %get3A_325 = arith.constant 64 : index
      %get3A_326 = tpu.vector_load %arg5[%get3A_324, %get3A_325] {strides = array<i32>} : memref<80x128xi32, #tpu.memory_space<vmem>>, vector<1x16xi32>,
      %get3A_327 = vector.shape_cast %get3A_326 : vector<1x16xi32> to vector<16xi32>
      %and3A_328 = arith.constant 16383 : i32
      %and3A_329 = vector.broadcast %and3A_328 : i32 to vector<16xi32>
      %and3A_330 = arith.andi %get3A_327, %and3A_329 : vector<16xi32>
      %swap3A_331 = arith.constant 64 : index
      %swap3A_332 = tpu.vector_load %arg8[%swap3A_331] {strides = array<i32>} : memref<128xi32, #tpu.memory_space<vmem>>, vector<16xi32>,
      %swap3A_333 = vector.shape_cast %swap3A_332 : vector<16xi32> to vector<16xi32>
      %swap3A_334 = vector.shape_cast %and3A_330 : vector<16xi32> to vector<16xi32>
      tpu.vector_store %arg8[%swap3A_331], %swap3A_334 {strides = array<i32>} : memref<128xi32, #tpu.memory_space<vmem>>, vector<16xi32>,
      %get3A_335 = arith.index_cast %mul3A_273 : i32 to index
      %get3A_336 = arith.constant 80 : index
      %get3A_337 = tpu.vector_load %arg5[%get3A_335, %get3A_336] {strides = array<i32>} : memref<80x128xi32, #tpu.memory_space<vmem>>, vector<1x16xi32>,
      %get3A_338 = vector.shape_cast %get3A_337 : vector<1x16xi32> to vector<16xi32>
      %and3A_339 = arith.constant 16383 : i32
      %and3A_340 = vector.broadcast %and3A_339 : i32 to vector<16xi32>
      %and3A_341 = arith.andi %get3A_338, %and3A_340 : vector<16xi32>
      %swap3A_342 = arith.constant 80 : index
      %swap3A_343 = tpu.vector_load %arg8[%swap3A_342] {strides = array<i32>} : memref<128xi32, #tpu.memory_space<vmem>>, vector<16xi32>,
      %swap3A_344 = vector.shape_cast %swap3A_343 : vector<16xi32> to vector<16xi32>
      %swap3A_345 = vector.shape_cast %and3A_341 : vector<16xi32> to vector<16xi32>
      tpu.vector_store %arg8[%swap3A_342], %swap3A_345 {strides = array<i32>} : memref<128xi32, #tpu.memory_space<vmem>>, vector<16xi32>,
      %get3A_346 = arith.index_cast %mul3A_273 : i32 to index
      %get3A_347 = arith.constant 96 : index
      %get3A_348 = tpu.vector_load %arg5[%get3A_346, %get3A_347] {strides = array<i32>} : memref<80x128xi32, #tpu.memory_space<vmem>>, vector<1x16xi32>,
      %get3A_349 = vector.shape_cast %get3A_348 : vector<1x16xi32> to vector<16xi32>
      %and3A_350 = arith.constant 16383 : i32
      %and3A_351 = vector.broadcast %and3A_350 : i32 to vector<16xi32>
      %and3A_352 = arith.andi %get3A_349, %and3A_351 : vector<16xi32>
      %swap3A_353 = arith.constant 96 : index
      %swap3A_354 = tpu.vector_load %arg8[%swap3A_353] {strides = array<i32>} : memref<128xi32, #tpu.memory_space<vmem>>, vector<16xi32>,
      %swap3A_355 = vector.shape_cast %swap3A_354 : vector<16xi32> to vector<16xi32>
      %swap3A_356 = vector.shape_cast %and3A_352 : vector<16xi32> to vector<16xi32>
      tpu.vector_store %arg8[%swap3A_353], %swap3A_356 {strides = array<i32>} : memref<128xi32, #tpu.memory_space<vmem>>, vector<16xi32>,
      %get3A_357 = arith.index_cast %mul3A_273 : i32 to index
      %get3A_358 = arith.constant 112 : index
      %get3A_359 = tpu.vector_load %arg5[%get3A_357, %get3A_358] {strides = array<i32>} : memref<80x128xi32, #tpu.memory_space<vmem>>, vector<1x16xi32>,
      %get3A_360 = vector.shape_cast %get3A_359 : vector<1x16xi32> to vector<16xi32>
      %and3A_361 = arith.constant 16383 : i32
      %and3A_362 = vector.broadcast %and3A_361 : i32 to vector<16xi32>
      %and3A_363 = arith.andi %get3A_360, %and3A_362 : vector<16xi32>
      %swap3A_364 = arith.constant 112 : index
      %swap3A_365 = tpu.vector_load %arg8[%swap3A_364] {strides = array<i32>} : memref<128xi32, #tpu.memory_space<vmem>>, vector<16xi32>,
      %swap3A_366 = vector.shape_cast %swap3A_365 : vector<16xi32> to vector<16xi32>
      %swap3A_367 = vector.shape_cast %and3A_363 : vector<16xi32> to vector<16xi32>
      tpu.vector_store %arg8[%swap3A_364], %swap3A_367 {strides = array<i32>} : memref<128xi32, #tpu.memory_space<vmem>>, vector<16xi32>,
      %dma_start3A_368 = arith.constant 0 : i32
      %dma_start3A_369 = arith.constant 0 : i32
      %dma_start3A_370 = tpu.memref_slice %arg16[%dma_start3A_368, %dma_start3A_369] : memref<10240x128xf32, #tpu.memory_space<vmem_shared>> -> memref<10240x128xf32, #tpu.memory_space<vmem_shared>>
      tpu.enqueue_indirect_dma source(%arg10 : memref<128x128xf32, #tpu.memory_space<vmem>>) target(%dma_start3A_370 : memref<10240x128xf32, #tpu.memory_space<vmem_shared>>) offsets(%arg8 : memref<128xi32, #tpu.memory_space<vmem>>) semaphore(%arg14 : memref<!tpu.dma_semaphore, #tpu.memory_space<semaphore_mem>>) {add = true}
      %dma_wait3A_371 = arith.constant 0 : i32
      %dma_wait3A_372 = arith.constant 0 : i32
      %dma_wait3A_373 = tpu.memref_slice %arg2[%dma_wait3A_371, %dma_wait3A_372] : memref<10240x128xf32, #tpu.memory_space<hbm>> -> memref<10240x128xf32, #tpu.memory_space<hbm>>
      tpu.wait_indirect_dma semaphore(%arg13 : memref<!tpu.dma_semaphore, #tpu.memory_space<semaphore_mem>>) src(%dma_wait3A_373 : memref<10240x128xf32, #tpu.memory_space<hbm>>) dst(%arg11 : memref<128x128xf32, #tpu.memory_space<vmem>>)
      %get3A_374 = arith.index_cast %add3A_277 : i32 to index
      %get3A_375 = arith.constant 0 : index
      %get3A_376 = tpu.vector_load %arg5[%get3A_374, %get3A_375] {strides = array<i32>} : memref<80x128xi32, #tpu.memory_space<vmem>>, vector<1x16xi32>,
      %get3A_377 = vector.shape_cast %get3A_376 : vector<1x16xi32> to vector<16xi32>
      %and3A_378 = arith.constant 16383 : i32
      %and3A_379 = vector.broadcast %and3A_378 : i32 to vector<16xi32>
      %and3A_380 = arith.andi %get3A_377, %and3A_379 : vector<16xi32>
      %swap3A_381 = arith.constant 0 : index
      %swap3A_382 = tpu.vector_load %arg9[%swap3A_381] {strides = array<i32>} : memref<128xi32, #tpu.memory_space<vmem>>, vector<16xi32>,
      %swap3A_383 = vector.shape_cast %swap3A_382 : vector<16xi32> to vector<16xi32>
      %swap3A_384 = vector.shape_cast %and3A_380 : vector<16xi32> to vector<16xi32>
      tpu.vector_store %arg9[%swap3A_381], %swap3A_384 {strides = array<i32>} : memref<128xi32, #tpu.memory_space<vmem>>, vector<16xi32>,
      %get3A_385 = arith.index_cast %add3A_277 : i32 to index
      %get3A_386 = arith.constant 16 : index
      %get3A_387 = tpu.vector_load %arg5[%get3A_385, %get3A_386] {strides = array<i32>} : memref<80x128xi32, #tpu.memory_space<vmem>>, vector<1x16xi32>,
      %get3A_388 = vector.shape_cast %get3A_387 : vector<1x16xi32> to vector<16xi32>
      %and3A_389 = arith.constant 16383 : i32
      %and3A_390 = vector.broadcast %and3A_389 : i32 to vector<16xi32>
      %and3A_391 = arith.andi %get3A_388, %and3A_390 : vector<16xi32>
      %swap3A_392 = arith.constant 16 : index
      %swap3A_393 = tpu.vector_load %arg9[%swap3A_392] {strides = array<i32>} : memref<128xi32, #tpu.memory_space<vmem>>, vector<16xi32>,
      %swap3A_394 = vector.shape_cast %swap3A_393 : vector<16xi32> to vector<16xi32>
      %swap3A_395 = vector.shape_cast %and3A_391 : vector<16xi32> to vector<16xi32>
      tpu.vector_store %arg9[%swap3A_392], %swap3A_395 {strides = array<i32>} : memref<128xi32, #tpu.memory_space<vmem>>, vector<16xi32>,
      %get3A_396 = arith.index_cast %add3A_277 : i32 to index
      %get3A_397 = arith.constant 32 : index
      %get3A_398 = tpu.vector_load %arg5[%get3A_396, %get3A_397] {strides = array<i32>} : memref<80x128xi32, #tpu.memory_space<vmem>>, vector<1x16xi32>,
      %get3A_399 = vector.shape_cast %get3A_398 : vector<1x16xi32> to vector<16xi32>
      %and3A_400 = arith.constant 16383 : i32
      %and3A_401 = vector.broadcast %and3A_400 : i32 to vector<16xi32>
      %and3A_402 = arith.andi %get3A_399, %and3A_401 : vector<16xi32>
      %swap3A_403 = arith.constant 32 : index
      %swap3A_404 = tpu.vector_load %arg9[%swap3A_403] {strides = array<i32>} : memref<128xi32, #tpu.memory_space<vmem>>, vector<16xi32>,
      %swap3A_405 = vector.shape_cast %swap3A_404 : vector<16xi32> to vector<16xi32>
      %swap3A_406 = vector.shape_cast %and3A_402 : vector<16xi32> to vector<16xi32>
      tpu.vector_store %arg9[%swap3A_403], %swap3A_406 {strides = array<i32>} : memref<128xi32, #tpu.memory_space<vmem>>, vector<16xi32>,
      %get3A_407 = arith.index_cast %add3A_277 : i32 to index
      %get3A_408 = arith.constant 48 : index
      %get3A_409 = tpu.vector_load %arg5[%get3A_407, %get3A_408] {strides = array<i32>} : memref<80x128xi32, #tpu.memory_space<vmem>>, vector<1x16xi32>,
      %get3A_410 = vector.shape_cast %get3A_409 : vector<1x16xi32> to vector<16xi32>
      %and3A_411 = arith.constant 16383 : i32
      %and3A_412 = vector.broadcast %and3A_411 : i32 to vector<16xi32>
      %and3A_413 = arith.andi %get3A_410, %and3A_412 : vector<16xi32>
      %swap3A_414 = arith.constant 48 : index
      %swap3A_415 = tpu.vector_load %arg9[%swap3A_414] {strides = array<i32>} : memref<128xi32, #tpu.memory_space<vmem>>, vector<16xi32>,
      %swap3A_416 = vector.shape_cast %swap3A_415 : vector<16xi32> to vector<16xi32>
      %swap3A_417 = vector.shape_cast %and3A_413 : vector<16xi32> to vector<16xi32>
      tpu.vector_store %arg9[%swap3A_414], %swap3A_417 {strides = array<i32>} : memref<128xi32, #tpu.memory_space<vmem>>, vector<16xi32>,
      %get3A_418 = arith.index_cast %add3A_277 : i32 to index
      %get3A_419 = arith.constant 64 : index
      %get3A_420 = tpu.vector_load %arg5[%get3A_418, %get3A_419] {strides = array<i32>} : memref<80x128xi32, #tpu.memory_space<vmem>>, vector<1x16xi32>,
      %get3A_421 = vector.shape_cast %get3A_420 : vector<1x16xi32> to vector<16xi32>
      %and3A_422 = arith.constant 16383 : i32
      %and3A_423 = vector.broadcast %and3A_422 : i32 to vector<16xi32>
      %and3A_424 = arith.andi %get3A_421, %and3A_423 : vector<16xi32>
      %swap3A_425 = arith.constant 64 : index
      %swap3A_426 = tpu.vector_load %arg9[%swap3A_425] {strides = array<i32>} : memref<128xi32, #tpu.memory_space<vmem>>, vector<16xi32>,
      %swap3A_427 = vector.shape_cast %swap3A_426 : vector<16xi32> to vector<16xi32>
      %swap3A_428 = vector.shape_cast %and3A_424 : vector<16xi32> to vector<16xi32>
      tpu.vector_store %arg9[%swap3A_425], %swap3A_428 {strides = array<i32>} : memref<128xi32, #tpu.memory_space<vmem>>, vector<16xi32>,
      %get3A_429 = arith.index_cast %add3A_277 : i32 to index
      %get3A_430 = arith.constant 80 : index
      %get3A_431 = tpu.vector_load %arg5[%get3A_429, %get3A_430] {strides = array<i32>} : memref<80x128xi32, #tpu.memory_space<vmem>>, vector<1x16xi32>,
      %get3A_432 = vector.shape_cast %get3A_431 : vector<1x16xi32> to vector<16xi32>
      %and3A_433 = arith.constant 16383 : i32
      %and3A_434 = vector.broadcast %and3A_433 : i32 to vector<16xi32>
      %and3A_435 = arith.andi %get3A_432, %and3A_434 : vector<16xi32>
      %swap3A_436 = arith.constant 80 : index
      %swap3A_437 = tpu.vector_load %arg9[%swap3A_436] {strides = array<i32>} : memref<128xi32, #tpu.memory_space<vmem>>, vector<16xi32>,
      %swap3A_438 = vector.shape_cast %swap3A_437 : vector<16xi32> to vector<16xi32>
      %swap3A_439 = vector.shape_cast %and3A_435 : vector<16xi32> to vector<16xi32>
      tpu.vector_store %arg9[%swap3A_436], %swap3A_439 {strides = array<i32>} : memref<128xi32, #tpu.memory_space<vmem>>, vector<16xi32>,
      %get3A_440 = arith.index_cast %add3A_277 : i32 to index
      %get3A_441 = arith.constant 96 : index
      %get3A_442 = tpu.vector_load %arg5[%get3A_440, %get3A_441] {strides = array<i32>} : memref<80x128xi32, #tpu.memory_space<vmem>>, vector<1x16xi32>,
      %get3A_443 = vector.shape_cast %get3A_442 : vector<1x16xi32> to vector<16xi32>
      %and3A_444 = arith.constant 16383 : i32
      %and3A_445 = vector.broadcast %and3A_444 : i32 to vector<16xi32>
      %and3A_446 = arith.andi %get3A_443, %and3A_445 : vector<16xi32>
      %swap3A_447 = arith.constant 96 : index
      %swap3A_448 = tpu.vector_load %arg9[%swap3A_447] {strides = array<i32>} : memref<128xi32, #tpu.memory_space<vmem>>, vector<16xi32>,
      %swap3A_449 = vector.shape_cast %swap3A_448 : vector<16xi32> to vector<16xi32>
      %swap3A_450 = vector.shape_cast %and3A_446 : vector<16xi32> to vector<16xi32>
      tpu.vector_store %arg9[%swap3A_447], %swap3A_450 {strides = array<i32>} : memref<128xi32, #tpu.memory_space<vmem>>, vector<16xi32>,
      %get3A_451 = arith.index_cast %add3A_277 : i32 to index
      %get3A_452 = arith.constant 112 : index
      %get3A_453 = tpu.vector_load %arg5[%get3A_451, %get3A_452] {strides = array<i32>} : memref<80x128xi32, #tpu.memory_space<vmem>>, vector<1x16xi32>,
      %get3A_454 = vector.shape_cast %get3A_453 : vector<1x16xi32> to vector<16xi32>
      %and3A_455 = arith.constant 16383 : i32
      %and3A_456 = vector.broadcast %and3A_455 : i32 to vector<16xi32>
      %and3A_457 = arith.andi %get3A_454, %and3A_456 : vector<16xi32>
      %swap3A_458 = arith.constant 112 : index
      %swap3A_459 = tpu.vector_load %arg9[%swap3A_458] {strides = array<i32>} : memref<128xi32, #tpu.memory_space<vmem>>, vector<16xi32>,
      %swap3A_460 = vector.shape_cast %swap3A_459 : vector<16xi32> to vector<16xi32>
      %swap3A_461 = vector.shape_cast %and3A_457 : vector<16xi32> to vector<16xi32>
      tpu.vector_store %arg9[%swap3A_458], %swap3A_461 {strides = array<i32>} : memref<128xi32, #tpu.memory_space<vmem>>, vector<16xi32>,
      %dma_start3A_462 = arith.constant 0 : i32
      %dma_start3A_463 = arith.constant 0 : i32
      %dma_start3A_464 = tpu.memref_slice %arg16[%dma_start3A_462, %dma_start3A_463] : memref<10240x128xf32, #tpu.memory_space<vmem_shared>> -> memref<10240x128xf32, #tpu.memory_space<vmem_shared>>
      tpu.enqueue_indirect_dma source(%arg11 : memref<128x128xf32, #tpu.memory_space<vmem>>) target(%dma_start3A_464 : memref<10240x128xf32, #tpu.memory_space<vmem_shared>>) offsets(%arg9 : memref<128xi32, #tpu.memory_space<vmem>>) semaphore(%arg15 : memref<!tpu.dma_semaphore, #tpu.memory_space<semaphore_mem>>) {add = true}
      %add3A_465 = arith.constant 2 : i32
      %add3A_466 = arith.addi %mul3A_273, %add3A_465 : i32
      %lt3A = arith.constant 80 : i32
      %lt3A_467 = arith.cmpi slt, %add3A_466, %lt3A : i32
      %convert_element_type3A = arith.extui %lt3A_467 : i1 to i32
      %cond3A = arith.constant 0 : i32
      %cond3A_468 = arith.cmpi ne, %convert_element_type3A, %cond3A : i32
      scf.if %cond3A_468 {
        %add3A_477 = arith.constant 2 : i32
        %add3A_478 = arith.addi %mul3A_273, %add3A_477 : i32
        %get3A_479 = arith.index_cast %add3A_478 : i32 to index
        %get3A_480 = arith.constant 0 : index
        %get3A_481 = tpu.vector_load %arg5[%get3A_479, %get3A_480] {strides = array<i32>} : memref<80x128xi32, #tpu.memory_space<vmem>>, vector<1x16xi32>,
        %get3A_482 = vector.shape_cast %get3A_481 : vector<1x16xi32> to vector<16xi32>
        %shift_right_arithmetic3A_483 = arith.constant 14 : i32
        %shift_right_arithmetic3A_484 = vector.broadcast %shift_right_arithmetic3A_483 : i32 to vector<16xi32>
        %shift_right_arithmetic3A_485 = arith.shrsi %get3A_482, %shift_right_arithmetic3A_484 : vector<16xi32>
        %swap3A_486 = arith.constant 0 : index
        %swap3A_487 = tpu.vector_load %arg6[%swap3A_486] {strides = array<i32>} : memref<128xi32, #tpu.memory_space<vmem>>, vector<16xi32>,
        %swap3A_488 = vector.shape_cast %swap3A_487 : vector<16xi32> to vector<16xi32>
        %swap3A_489 = vector.shape_cast %shift_right_arithmetic3A_485 : vector<16xi32> to vector<16xi32>
        tpu.vector_store %arg6[%swap3A_486], %swap3A_489 {strides = array<i32>} : memref<128xi32, #tpu.memory_space<vmem>>, vector<16xi32>,
        %get3A_490 = arith.index_cast %add3A_478 : i32 to index
        %get3A_491 = arith.constant 16 : index
        %get3A_492 = tpu.vector_load %arg5[%get3A_490, %get3A_491] {strides = array<i32>} : memref<80x128xi32, #tpu.memory_space<vmem>>, vector<1x16xi32>,
        %get3A_493 = vector.shape_cast %get3A_492 : vector<1x16xi32> to vector<16xi32>
        %shift_right_arithmetic3A_494 = arith.constant 14 : i32
        %shift_right_arithmetic3A_495 = vector.broadcast %shift_right_arithmetic3A_494 : i32 to vector<16xi32>
        %shift_right_arithmetic3A_496 = arith.shrsi %get3A_493, %shift_right_arithmetic3A_495 : vector<16xi32>
        %swap3A_497 = arith.constant 16 : index
        %swap3A_498 = tpu.vector_load %arg6[%swap3A_497] {strides = array<i32>} : memref<128xi32, #tpu.memory_space<vmem>>, vector<16xi32>,
        %swap3A_499 = vector.shape_cast %swap3A_498 : vector<16xi32> to vector<16xi32>
        %swap3A_500 = vector.shape_cast %shift_right_arithmetic3A_496 : vector<16xi32> to vector<16xi32>
        tpu.vector_store %arg6[%swap3A_497], %swap3A_500 {strides = array<i32>} : memref<128xi32, #tpu.memory_space<vmem>>, vector<16xi32>,
        %get3A_501 = arith.index_cast %add3A_478 : i32 to index
        %get3A_502 = arith.constant 32 : index
        %get3A_503 = tpu.vector_load %arg5[%get3A_501, %get3A_502] {strides = array<i32>} : memref<80x128xi32, #tpu.memory_space<vmem>>, vector<1x16xi32>,
        %get3A_504 = vector.shape_cast %get3A_503 : vector<1x16xi32> to vector<16xi32>
        %shift_right_arithmetic3A_505 = arith.constant 14 : i32
        %shift_right_arithmetic3A_506 = vector.broadcast %shift_right_arithmetic3A_505 : i32 to vector<16xi32>
        %shift_right_arithmetic3A_507 = arith.shrsi %get3A_504, %shift_right_arithmetic3A_506 : vector<16xi32>
        %swap3A_508 = arith.constant 32 : index
        %swap3A_509 = tpu.vector_load %arg6[%swap3A_508] {strides = array<i32>} : memref<128xi32, #tpu.memory_space<vmem>>, vector<16xi32>,
        %swap3A_510 = vector.shape_cast %swap3A_509 : vector<16xi32> to vector<16xi32>
        %swap3A_511 = vector.shape_cast %shift_right_arithmetic3A_507 : vector<16xi32> to vector<16xi32>
        tpu.vector_store %arg6[%swap3A_508], %swap3A_511 {strides = array<i32>} : memref<128xi32, #tpu.memory_space<vmem>>, vector<16xi32>,
        %get3A_512 = arith.index_cast %add3A_478 : i32 to index
        %get3A_513 = arith.constant 48 : index
        %get3A_514 = tpu.vector_load %arg5[%get3A_512, %get3A_513] {strides = array<i32>} : memref<80x128xi32, #tpu.memory_space<vmem>>, vector<1x16xi32>,
        %get3A_515 = vector.shape_cast %get3A_514 : vector<1x16xi32> to vector<16xi32>
        %shift_right_arithmetic3A_516 = arith.constant 14 : i32
        %shift_right_arithmetic3A_517 = vector.broadcast %shift_right_arithmetic3A_516 : i32 to vector<16xi32>
        %shift_right_arithmetic3A_518 = arith.shrsi %get3A_515, %shift_right_arithmetic3A_517 : vector<16xi32>
        %swap3A_519 = arith.constant 48 : index
        %swap3A_520 = tpu.vector_load %arg6[%swap3A_519] {strides = array<i32>} : memref<128xi32, #tpu.memory_space<vmem>>, vector<16xi32>,
        %swap3A_521 = vector.shape_cast %swap3A_520 : vector<16xi32> to vector<16xi32>
        %swap3A_522 = vector.shape_cast %shift_right_arithmetic3A_518 : vector<16xi32> to vector<16xi32>
        tpu.vector_store %arg6[%swap3A_519], %swap3A_522 {strides = array<i32>} : memref<128xi32, #tpu.memory_space<vmem>>, vector<16xi32>,
        %get3A_523 = arith.index_cast %add3A_478 : i32 to index
        %get3A_524 = arith.constant 64 : index
        %get3A_525 = tpu.vector_load %arg5[%get3A_523, %get3A_524] {strides = array<i32>} : memref<80x128xi32, #tpu.memory_space<vmem>>, vector<1x16xi32>,
        %get3A_526 = vector.shape_cast %get3A_525 : vector<1x16xi32> to vector<16xi32>
        %shift_right_arithmetic3A_527 = arith.constant 14 : i32
        %shift_right_arithmetic3A_528 = vector.broadcast %shift_right_arithmetic3A_527 : i32 to vector<16xi32>
        %shift_right_arithmetic3A_529 = arith.shrsi %get3A_526, %shift_right_arithmetic3A_528 : vector<16xi32>
        %swap3A_530 = arith.constant 64 : index
        %swap3A_531 = tpu.vector_load %arg6[%swap3A_530] {strides = array<i32>} : memref<128xi32, #tpu.memory_space<vmem>>, vector<16xi32>,
        %swap3A_532 = vector.shape_cast %swap3A_531 : vector<16xi32> to vector<16xi32>
        %swap3A_533 = vector.shape_cast %shift_right_arithmetic3A_529 : vector<16xi32> to vector<16xi32>
        tpu.vector_store %arg6[%swap3A_530], %swap3A_533 {strides = array<i32>} : memref<128xi32, #tpu.memory_space<vmem>>, vector<16xi32>,
        %get3A_534 = arith.index_cast %add3A_478 : i32 to index
        %get3A_535 = arith.constant 80 : index
        %get3A_536 = tpu.vector_load %arg5[%get3A_534, %get3A_535] {strides = array<i32>} : memref<80x128xi32, #tpu.memory_space<vmem>>, vector<1x16xi32>,
        %get3A_537 = vector.shape_cast %get3A_536 : vector<1x16xi32> to vector<16xi32>
        %shift_right_arithmetic3A_538 = arith.constant 14 : i32
        %shift_right_arithmetic3A_539 = vector.broadcast %shift_right_arithmetic3A_538 : i32 to vector<16xi32>
        %shift_right_arithmetic3A_540 = arith.shrsi %get3A_537, %shift_right_arithmetic3A_539 : vector<16xi32>
        %swap3A_541 = arith.constant 80 : index
        %swap3A_542 = tpu.vector_load %arg6[%swap3A_541] {strides = array<i32>} : memref<128xi32, #tpu.memory_space<vmem>>, vector<16xi32>,
        %swap3A_543 = vector.shape_cast %swap3A_542 : vector<16xi32> to vector<16xi32>
        %swap3A_544 = vector.shape_cast %shift_right_arithmetic3A_540 : vector<16xi32> to vector<16xi32>
        tpu.vector_store %arg6[%swap3A_541], %swap3A_544 {strides = array<i32>} : memref<128xi32, #tpu.memory_space<vmem>>, vector<16xi32>,
        %get3A_545 = arith.index_cast %add3A_478 : i32 to index
        %get3A_546 = arith.constant 96 : index
        %get3A_547 = tpu.vector_load %arg5[%get3A_545, %get3A_546] {strides = array<i32>} : memref<80x128xi32, #tpu.memory_space<vmem>>, vector<1x16xi32>,
        %get3A_548 = vector.shape_cast %get3A_547 : vector<1x16xi32> to vector<16xi32>
        %shift_right_arithmetic3A_549 = arith.constant 14 : i32
        %shift_right_arithmetic3A_550 = vector.broadcast %shift_right_arithmetic3A_549 : i32 to vector<16xi32>
        %shift_right_arithmetic3A_551 = arith.shrsi %get3A_548, %shift_right_arithmetic3A_550 : vector<16xi32>
        %swap3A_552 = arith.constant 96 : index
        %swap3A_553 = tpu.vector_load %arg6[%swap3A_552] {strides = array<i32>} : memref<128xi32, #tpu.memory_space<vmem>>, vector<16xi32>,
        %swap3A_554 = vector.shape_cast %swap3A_553 : vector<16xi32> to vector<16xi32>
        %swap3A_555 = vector.shape_cast %shift_right_arithmetic3A_551 : vector<16xi32> to vector<16xi32>
        tpu.vector_store %arg6[%swap3A_552], %swap3A_555 {strides = array<i32>} : memref<128xi32, #tpu.memory_space<vmem>>, vector<16xi32>,
        %get3A_556 = arith.index_cast %add3A_478 : i32 to index
        %get3A_557 = arith.constant 112 : index
        %get3A_558 = tpu.vector_load %arg5[%get3A_556, %get3A_557] {strides = array<i32>} : memref<80x128xi32, #tpu.memory_space<vmem>>, vector<1x16xi32>,
        %get3A_559 = vector.shape_cast %get3A_558 : vector<1x16xi32> to vector<16xi32>
        %shift_right_arithmetic3A_560 = arith.constant 14 : i32
        %shift_right_arithmetic3A_561 = vector.broadcast %shift_right_arithmetic3A_560 : i32 to vector<16xi32>
        %shift_right_arithmetic3A_562 = arith.shrsi %get3A_559, %shift_right_arithmetic3A_561 : vector<16xi32>
        %swap3A_563 = arith.constant 112 : index
        %swap3A_564 = tpu.vector_load %arg6[%swap3A_563] {strides = array<i32>} : memref<128xi32, #tpu.memory_space<vmem>>, vector<16xi32>,
        %swap3A_565 = vector.shape_cast %swap3A_564 : vector<16xi32> to vector<16xi32>
        %swap3A_566 = vector.shape_cast %shift_right_arithmetic3A_562 : vector<16xi32> to vector<16xi32>
        tpu.vector_store %arg6[%swap3A_563], %swap3A_566 {strides = array<i32>} : memref<128xi32, #tpu.memory_space<vmem>>, vector<16xi32>,
        %dma_wait3A_567 = arith.constant 0 : i32
        %dma_wait3A_568 = arith.constant 0 : i32
        %dma_wait3A_569 = tpu.memref_slice %arg16[%dma_wait3A_567, %dma_wait3A_568] : memref<10240x128xf32, #tpu.memory_space<vmem_shared>> -> memref<10240x128xf32, #tpu.memory_space<vmem_shared>>
        tpu.wait_indirect_dma semaphore(%arg14 : memref<!tpu.dma_semaphore, #tpu.memory_space<semaphore_mem>>) src(%arg10 : memref<128x128xf32, #tpu.memory_space<vmem>>) dst(%dma_wait3A_569 : memref<10240x128xf32, #tpu.memory_space<vmem_shared>>)
        %dma_start3A_570 = arith.constant 0 : i32
        %dma_start3A_571 = arith.constant 0 : i32
        %dma_start3A_572 = tpu.memref_slice %arg2[%dma_start3A_570, %dma_start3A_571] : memref<10240x128xf32, #tpu.memory_space<hbm>> -> memref<10240x128xf32, #tpu.memory_space<hbm>>
        tpu.enqueue_indirect_dma source(%dma_start3A_572 : memref<10240x128xf32, #tpu.memory_space<hbm>>) target(%arg10 : memref<128x128xf32, #tpu.memory_space<vmem>>) offsets(%arg6 : memref<128xi32, #tpu.memory_space<vmem>>) semaphore(%arg12 : memref<!tpu.dma_semaphore, #tpu.memory_space<semaphore_mem>>)
      } else {
      }
      %add3A_469 = arith.constant 2 : i32
      %add3A_470 = arith.addi %add3A_277, %add3A_469 : i32
      %lt3A_471 = arith.constant 80 : i32
      %lt3A_472 = arith.cmpi slt, %add3A_470, %lt3A_471 : i32
      %convert_element_type3A_473 = arith.extui %lt3A_472 : i1 to i32
      %cond3A_474 = arith.constant 0 : i32
      %cond3A_475 = arith.cmpi ne, %convert_element_type3A_473, %cond3A_474 : i32
      scf.if %cond3A_475 {
        %add3A_477 = arith.constant 2 : i32
        %add3A_478 = arith.addi %add3A_277, %add3A_477 : i32
        %get3A_479 = arith.index_cast %add3A_478 : i32 to index
        %get3A_480 = arith.constant 0 : index
        %get3A_481 = tpu.vector_load %arg5[%get3A_479, %get3A_480] {strides = array<i32>} : memref<80x128xi32, #tpu.memory_space<vmem>>, vector<1x16xi32>,
        %get3A_482 = vector.shape_cast %get3A_481 : vector<1x16xi32> to vector<16xi32>
        %shift_right_arithmetic3A_483 = arith.constant 14 : i32
        %shift_right_arithmetic3A_484 = vector.broadcast %shift_right_arithmetic3A_483 : i32 to vector<16xi32>
        %shift_right_arithmetic3A_485 = arith.shrsi %get3A_482, %shift_right_arithmetic3A_484 : vector<16xi32>
        %swap3A_486 = arith.constant 0 : index
        %swap3A_487 = tpu.vector_load %arg7[%swap3A_486] {strides = array<i32>} : memref<128xi32, #tpu.memory_space<vmem>>, vector<16xi32>,
        %swap3A_488 = vector.shape_cast %swap3A_487 : vector<16xi32> to vector<16xi32>
        %swap3A_489 = vector.shape_cast %shift_right_arithmetic3A_485 : vector<16xi32> to vector<16xi32>
        tpu.vector_store %arg7[%swap3A_486], %swap3A_489 {strides = array<i32>} : memref<128xi32, #tpu.memory_space<vmem>>, vector<16xi32>,
        %get3A_490 = arith.index_cast %add3A_478 : i32 to index
        %get3A_491 = arith.constant 16 : index
        %get3A_492 = tpu.vector_load %arg5[%get3A_490, %get3A_491] {strides = array<i32>} : memref<80x128xi32, #tpu.memory_space<vmem>>, vector<1x16xi32>,
        %get3A_493 = vector.shape_cast %get3A_492 : vector<1x16xi32> to vector<16xi32>
        %shift_right_arithmetic3A_494 = arith.constant 14 : i32
        %shift_right_arithmetic3A_495 = vector.broadcast %shift_right_arithmetic3A_494 : i32 to vector<16xi32>
        %shift_right_arithmetic3A_496 = arith.shrsi %get3A_493, %shift_right_arithmetic3A_495 : vector<16xi32>
        %swap3A_497 = arith.constant 16 : index
        %swap3A_498 = tpu.vector_load %arg7[%swap3A_497] {strides = array<i32>} : memref<128xi32, #tpu.memory_space<vmem>>, vector<16xi32>,
        %swap3A_499 = vector.shape_cast %swap3A_498 : vector<16xi32> to vector<16xi32>
        %swap3A_500 = vector.shape_cast %shift_right_arithmetic3A_496 : vector<16xi32> to vector<16xi32>
        tpu.vector_store %arg7[%swap3A_497], %swap3A_500 {strides = array<i32>} : memref<128xi32, #tpu.memory_space<vmem>>, vector<16xi32>,
        %get3A_501 = arith.index_cast %add3A_478 : i32 to index
        %get3A_502 = arith.constant 32 : index
        %get3A_503 = tpu.vector_load %arg5[%get3A_501, %get3A_502] {strides = array<i32>} : memref<80x128xi32, #tpu.memory_space<vmem>>, vector<1x16xi32>,
        %get3A_504 = vector.shape_cast %get3A_503 : vector<1x16xi32> to vector<16xi32>
        %shift_right_arithmetic3A_505 = arith.constant 14 : i32
        %shift_right_arithmetic3A_506 = vector.broadcast %shift_right_arithmetic3A_505 : i32 to vector<16xi32>
        %shift_right_arithmetic3A_507 = arith.shrsi %get3A_504, %shift_right_arithmetic3A_506 : vector<16xi32>
        %swap3A_508 = arith.constant 32 : index
        %swap3A_509 = tpu.vector_load %arg7[%swap3A_508] {strides = array<i32>} : memref<128xi32, #tpu.memory_space<vmem>>, vector<16xi32>,
        %swap3A_510 = vector.shape_cast %swap3A_509 : vector<16xi32> to vector<16xi32>
        %swap3A_511 = vector.shape_cast %shift_right_arithmetic3A_507 : vector<16xi32> to vector<16xi32>
        tpu.vector_store %arg7[%swap3A_508], %swap3A_511 {strides = array<i32>} : memref<128xi32, #tpu.memory_space<vmem>>, vector<16xi32>,
        %get3A_512 = arith.index_cast %add3A_478 : i32 to index
        %get3A_513 = arith.constant 48 : index
        %get3A_514 = tpu.vector_load %arg5[%get3A_512, %get3A_513] {strides = array<i32>} : memref<80x128xi32, #tpu.memory_space<vmem>>, vector<1x16xi32>,
        %get3A_515 = vector.shape_cast %get3A_514 : vector<1x16xi32> to vector<16xi32>
        %shift_right_arithmetic3A_516 = arith.constant 14 : i32
        %shift_right_arithmetic3A_517 = vector.broadcast %shift_right_arithmetic3A_516 : i32 to vector<16xi32>
        %shift_right_arithmetic3A_518 = arith.shrsi %get3A_515, %shift_right_arithmetic3A_517 : vector<16xi32>
        %swap3A_519 = arith.constant 48 : index
        %swap3A_520 = tpu.vector_load %arg7[%swap3A_519] {strides = array<i32>} : memref<128xi32, #tpu.memory_space<vmem>>, vector<16xi32>,
        %swap3A_521 = vector.shape_cast %swap3A_520 : vector<16xi32> to vector<16xi32>
        %swap3A_522 = vector.shape_cast %shift_right_arithmetic3A_518 : vector<16xi32> to vector<16xi32>
        tpu.vector_store %arg7[%swap3A_519], %swap3A_522 {strides = array<i32>} : memref<128xi32, #tpu.memory_space<vmem>>, vector<16xi32>,
        %get3A_523 = arith.index_cast %add3A_478 : i32 to index
        %get3A_524 = arith.constant 64 : index
        %get3A_525 = tpu.vector_load %arg5[%get3A_523, %get3A_524] {strides = array<i32>} : memref<80x128xi32, #tpu.memory_space<vmem>>, vector<1x16xi32>,
        %get3A_526 = vector.shape_cast %get3A_525 : vector<1x16xi32> to vector<16xi32>
        %shift_right_arithmetic3A_527 = arith.constant 14 : i32
        %shift_right_arithmetic3A_528 = vector.broadcast %shift_right_arithmetic3A_527 : i32 to vector<16xi32>
        %shift_right_arithmetic3A_529 = arith.shrsi %get3A_526, %shift_right_arithmetic3A_528 : vector<16xi32>
        %swap3A_530 = arith.constant 64 : index
        %swap3A_531 = tpu.vector_load %arg7[%swap3A_530] {strides = array<i32>} : memref<128xi32, #tpu.memory_space<vmem>>, vector<16xi32>,
        %swap3A_532 = vector.shape_cast %swap3A_531 : vector<16xi32> to vector<16xi32>
        %swap3A_533 = vector.shape_cast %shift_right_arithmetic3A_529 : vector<16xi32> to vector<16xi32>
        tpu.vector_store %arg7[%swap3A_530], %swap3A_533 {strides = array<i32>} : memref<128xi32, #tpu.memory_space<vmem>>, vector<16xi32>,
        %get3A_534 = arith.index_cast %add3A_478 : i32 to index
        %get3A_535 = arith.constant 80 : index
        %get3A_536 = tpu.vector_load %arg5[%get3A_534, %get3A_535] {strides = array<i32>} : memref<80x128xi32, #tpu.memory_space<vmem>>, vector<1x16xi32>,
        %get3A_537 = vector.shape_cast %get3A_536 : vector<1x16xi32> to vector<16xi32>
        %shift_right_arithmetic3A_538 = arith.constant 14 : i32
        %shift_right_arithmetic3A_539 = vector.broadcast %shift_right_arithmetic3A_538 : i32 to vector<16xi32>
        %shift_right_arithmetic3A_540 = arith.shrsi %get3A_537, %shift_right_arithmetic3A_539 : vector<16xi32>
        %swap3A_541 = arith.constant 80 : index
        %swap3A_542 = tpu.vector_load %arg7[%swap3A_541] {strides = array<i32>} : memref<128xi32, #tpu.memory_space<vmem>>, vector<16xi32>,
        %swap3A_543 = vector.shape_cast %swap3A_542 : vector<16xi32> to vector<16xi32>
        %swap3A_544 = vector.shape_cast %shift_right_arithmetic3A_540 : vector<16xi32> to vector<16xi32>
        tpu.vector_store %arg7[%swap3A_541], %swap3A_544 {strides = array<i32>} : memref<128xi32, #tpu.memory_space<vmem>>, vector<16xi32>,
        %get3A_545 = arith.index_cast %add3A_478 : i32 to index
        %get3A_546 = arith.constant 96 : index
        %get3A_547 = tpu.vector_load %arg5[%get3A_545, %get3A_546] {strides = array<i32>} : memref<80x128xi32, #tpu.memory_space<vmem>>, vector<1x16xi32>,
        %get3A_548 = vector.shape_cast %get3A_547 : vector<1x16xi32> to vector<16xi32>
        %shift_right_arithmetic3A_549 = arith.constant 14 : i32
        %shift_right_arithmetic3A_550 = vector.broadcast %shift_right_arithmetic3A_549 : i32 to vector<16xi32>
        %shift_right_arithmetic3A_551 = arith.shrsi %get3A_548, %shift_right_arithmetic3A_550 : vector<16xi32>
        %swap3A_552 = arith.constant 96 : index
        %swap3A_553 = tpu.vector_load %arg7[%swap3A_552] {strides = array<i32>} : memref<128xi32, #tpu.memory_space<vmem>>, vector<16xi32>,
        %swap3A_554 = vector.shape_cast %swap3A_553 : vector<16xi32> to vector<16xi32>
        %swap3A_555 = vector.shape_cast %shift_right_arithmetic3A_551 : vector<16xi32> to vector<16xi32>
        tpu.vector_store %arg7[%swap3A_552], %swap3A_555 {strides = array<i32>} : memref<128xi32, #tpu.memory_space<vmem>>, vector<16xi32>,
        %get3A_556 = arith.index_cast %add3A_478 : i32 to index
        %get3A_557 = arith.constant 112 : index
        %get3A_558 = tpu.vector_load %arg5[%get3A_556, %get3A_557] {strides = array<i32>} : memref<80x128xi32, #tpu.memory_space<vmem>>, vector<1x16xi32>,
        %get3A_559 = vector.shape_cast %get3A_558 : vector<1x16xi32> to vector<16xi32>
        %shift_right_arithmetic3A_560 = arith.constant 14 : i32
        %shift_right_arithmetic3A_561 = vector.broadcast %shift_right_arithmetic3A_560 : i32 to vector<16xi32>
        %shift_right_arithmetic3A_562 = arith.shrsi %get3A_559, %shift_right_arithmetic3A_561 : vector<16xi32>
        %swap3A_563 = arith.constant 112 : index
        %swap3A_564 = tpu.vector_load %arg7[%swap3A_563] {strides = array<i32>} : memref<128xi32, #tpu.memory_space<vmem>>, vector<16xi32>,
        %swap3A_565 = vector.shape_cast %swap3A_564 : vector<16xi32> to vector<16xi32>
        %swap3A_566 = vector.shape_cast %shift_right_arithmetic3A_562 : vector<16xi32> to vector<16xi32>
        tpu.vector_store %arg7[%swap3A_563], %swap3A_566 {strides = array<i32>} : memref<128xi32, #tpu.memory_space<vmem>>, vector<16xi32>,
        %dma_wait3A_567 = arith.constant 0 : i32
        %dma_wait3A_568 = arith.constant 0 : i32
        %dma_wait3A_569 = tpu.memref_slice %arg16[%dma_wait3A_567, %dma_wait3A_568] : memref<10240x128xf32, #tpu.memory_space<vmem_shared>> -> memref<10240x128xf32, #tpu.memory_space<vmem_shared>>
        tpu.wait_indirect_dma semaphore(%arg15 : memref<!tpu.dma_semaphore, #tpu.memory_space<semaphore_mem>>) src(%arg11 : memref<128x128xf32, #tpu.memory_space<vmem>>) dst(%dma_wait3A_569 : memref<10240x128xf32, #tpu.memory_space<vmem_shared>>)
        %dma_start3A_570 = arith.constant 0 : i32
        %dma_start3A_571 = arith.constant 0 : i32
        %dma_start3A_572 = tpu.memref_slice %arg2[%dma_start3A_570, %dma_start3A_571] : memref<10240x128xf32, #tpu.memory_space<hbm>> -> memref<10240x128xf32, #tpu.memory_space<hbm>>
        tpu.enqueue_indirect_dma source(%dma_start3A_572 : memref<10240x128xf32, #tpu.memory_space<hbm>>) target(%arg11 : memref<128x128xf32, #tpu.memory_space<vmem>>) offsets(%arg7 : memref<128xi32, #tpu.memory_space<vmem>>) semaphore(%arg13 : memref<!tpu.dma_semaphore, #tpu.memory_space<semaphore_mem>>)
      } else {
      }
      %scan3A_476 = arith.constant 0 : i32
      scf.yield %scan3A_476 : i32
    }
    %scan3A_228 = arith.constant 40 : i32
    %dma_wait3A = arith.constant 0 : i32
    %dma_wait3A_229 = arith.constant 0 : i32
    %dma_wait3A_230 = tpu.memref_slice %arg16[%dma_wait3A, %dma_wait3A_229] : memref<10240x128xf32, #tpu.memory_space<vmem_shared>> -> memref<10240x128xf32, #tpu.memory_space<vmem_shared>>
    tpu.wait_indirect_dma semaphore(%arg14 : memref<!tpu.dma_semaphore, #tpu.memory_space<semaphore_mem>>) src(%arg10 : memref<128x128xf32, #tpu.memory_space<vmem>>) dst(%dma_wait3A_230 : memref<10240x128xf32, #tpu.memory_space<vmem_shared>>)
    %dma_wait3A_231 = arith.constant 0 : i32
    %dma_wait3A_232 = arith.constant 0 : i32
    %dma_wait3A_233 = tpu.memref_slice %arg16[%dma_wait3A_231, %dma_wait3A_232] : memref<10240x128xf32, #tpu.memory_space<vmem_shared>> -> memref<10240x128xf32, #tpu.memory_space<vmem_shared>>
    tpu.wait_indirect_dma semaphore(%arg15 : memref<!tpu.dma_semaphore, #tpu.memory_space<semaphore_mem>>) src(%arg11 : memref<128x128xf32, #tpu.memory_space<vmem>>) dst(%dma_wait3A_233 : memref<10240x128xf32, #tpu.memory_space<vmem_shared>>)
    %barrier3A_234 = arith.constant 0 : index
    tpu.barrier barrier_id(%barrier3A_234)
    %mul3A_235 = arith.constant 640 : i32
    %mul3A_236 = arith.muli %arg1, %mul3A_235 : i32
    %add3A_237 = arith.constant 0 : i32
    %add3A_238 = arith.addi %mul3A_236, %add3A_237 : i32
    "tpu.region"() ({
      %run_scoped3A = tpu.sem_alloc : memref<!tpu.dma_semaphore, #tpu.memory_space<semaphore_mem>>
      %dma_start3A_270 = arith.constant 0 : i32
      %dma_start3A_271 = tpu.memref_slice %arg16[%add3A_238, %dma_start3A_270] : memref<10240x128xf32, #tpu.memory_space<vmem_shared>> -> memref<128x128xf32, #tpu.memory_space<vmem_shared>>
      %dma_start3A_272 = arith.constant 0 : i32
      %dma_start3A_273 = tpu.memref_slice %arg16[%add3A_238, %dma_start3A_272] : memref<10240x128xf32, #tpu.memory_space<vmem_shared>> -> memref<128x128xf32, #tpu.memory_space<vmem_shared>>
      tpu.enqueue_dma source(%dma_start3A_273 : memref<128x128xf32, #tpu.memory_space<vmem_shared>>) target(%arg10 : memref<128x128xf32, #tpu.memory_space<vmem>>) target_semaphore(%run_scoped3A : memref<!tpu.dma_semaphore, #tpu.memory_space<semaphore_mem>>)
      %dma_wait3A_274 = arith.constant 0 : i32
      %dma_wait3A_275 = tpu.memref_slice %arg16[%add3A_238, %dma_wait3A_274] : memref<10240x128xf32, #tpu.memory_space<vmem_shared>> -> memref<128x128xf32, #tpu.memory_space<vmem_shared>>
      %dma_wait3A_276 = arith.constant 0 : i32
      %dma_wait3A_277 = tpu.memref_slice %arg16[%add3A_238, %dma_wait3A_276] : memref<10240x128xf32, #tpu.memory_space<vmem_shared>> -> memref<128x128xf32, #tpu.memory_space<vmem_shared>>
      tpu.wait_dma2 semaphore(%run_scoped3A : memref<!tpu.dma_semaphore, #tpu.memory_space<semaphore_mem>>) src(%dma_wait3A_277 : memref<128x128xf32, #tpu.memory_space<vmem_shared>>) dst(%arg10 : memref<128x128xf32, #tpu.memory_space<vmem>>)
      tpu.yield
    }) : () -> ()
    %mul3A_239 = arith.constant 10240 : i32
    %mul3A_240 = arith.muli %arg0, %mul3A_239 : i32
    %add3A_241 = arith.addi %mul3A_240, %add3A_238 : i32
    "tpu.region"() ({
      %run_scoped3A = tpu.sem_alloc : memref<!tpu.dma_semaphore, #tpu.memory_space<semaphore_mem>>
      %dma_start3A_270 = arith.constant 0 : i32
      %dma_start3A_271 = tpu.memref_slice %arg4[%add3A_241, %dma_start3A_270] : memref<20480x128xf32, #tpu.memory_space<hbm>> -> memref<128x128xf32, #tpu.memory_space<hbm>>
      %dma_start3A_272 = arith.constant 0 : i32
      %dma_start3A_273 = tpu.memref_slice %arg4[%add3A_241, %dma_start3A_272] : memref<20480x128xf32, #tpu.memory_space<hbm>> -> memref<128x128xf32, #tpu.memory_space<hbm>>
      tpu.enqueue_dma source(%arg10 : memref<128x128xf32, #tpu.memory_space<vmem>>) target(%dma_start3A_273 : memref<128x128xf32, #tpu.memory_space<hbm>>) target_semaphore(%run_scoped3A : memref<!tpu.dma_semaphore, #tpu.memory_space<semaphore_mem>>)
      %dma_wait3A_274 = arith.constant 0 : i32
      %dma_wait3A_275 = tpu.memref_slice %arg4[%add3A_241, %dma_wait3A_274] : memref<20480x128xf32, #tpu.memory_space<hbm>> -> memref<128x128xf32, #tpu.memory_space<hbm>>
      %dma_wait3A_276 = arith.constant 0 : i32
      %dma_wait3A_277 = tpu.memref_slice %arg4[%add3A_241, %dma_wait3A_276] : memref<20480x128xf32, #tpu.memory_space<hbm>> -> memref<128x128xf32, #tpu.memory_space<hbm>>
      tpu.wait_dma2 semaphore(%run_scoped3A : memref<!tpu.dma_semaphore, #tpu.memory_space<semaphore_mem>>) src(%arg10 : memref<128x128xf32, #tpu.memory_space<vmem>>) dst(%dma_wait3A_277 : memref<128x128xf32, #tpu.memory_space<hbm>>)
      tpu.yield
    }) : () -> ()
    %mul3A_242 = arith.constant 640 : i32
    %mul3A_243 = arith.muli %arg1, %mul3A_242 : i32
    %add3A_244 = arith.constant 128 : i32
    %add3A_245 = arith.addi %mul3A_243, %add3A_244 : i32
    "tpu.region"() ({
      %run_scoped3A = tpu.sem_alloc : memref<!tpu.dma_semaphore, #tpu.memory_space<semaphore_mem>>
      %dma_start3A_270 = arith.constant 0 : i32
      %dma_start3A_271 = tpu.memref_slice %arg16[%add3A_245, %dma_start3A_270] : memref<10240x128xf32, #tpu.memory_space<vmem_shared>> -> memref<128x128xf32, #tpu.memory_space<vmem_shared>>
      %dma_start3A_272 = arith.constant 0 : i32
      %dma_start3A_273 = tpu.memref_slice %arg16[%add3A_245, %dma_start3A_272] : memref<10240x128xf32, #tpu.memory_space<vmem_shared>> -> memref<128x128xf32, #tpu.memory_space<vmem_shared>>
      tpu.enqueue_dma source(%dma_start3A_273 : memref<128x128xf32, #tpu.memory_space<vmem_shared>>) target(%arg10 : memref<128x128xf32, #tpu.memory_space<vmem>>) target_semaphore(%run_scoped3A : memref<!tpu.dma_semaphore, #tpu.memory_space<semaphore_mem>>)
      %dma_wait3A_274 = arith.constant 0 : i32
      %dma_wait3A_275 = tpu.memref_slice %arg16[%add3A_245, %dma_wait3A_274] : memref<10240x128xf32, #tpu.memory_space<vmem_shared>> -> memref<128x128xf32, #tpu.memory_space<vmem_shared>>
      %dma_wait3A_276 = arith.constant 0 : i32
      %dma_wait3A_277 = tpu.memref_slice %arg16[%add3A_245, %dma_wait3A_276] : memref<10240x128xf32, #tpu.memory_space<vmem_shared>> -> memref<128x128xf32, #tpu.memory_space<vmem_shared>>
      tpu.wait_dma2 semaphore(%run_scoped3A : memref<!tpu.dma_semaphore, #tpu.memory_space<semaphore_mem>>) src(%dma_wait3A_277 : memref<128x128xf32, #tpu.memory_space<vmem_shared>>) dst(%arg10 : memref<128x128xf32, #tpu.memory_space<vmem>>)
      tpu.yield
    }) : () -> ()
    %mul3A_246 = arith.constant 10240 : i32
    %mul3A_247 = arith.muli %arg0, %mul3A_246 : i32
    %add3A_248 = arith.addi %mul3A_247, %add3A_245 : i32
    "tpu.region"() ({
      %run_scoped3A = tpu.sem_alloc : memref<!tpu.dma_semaphore, #tpu.memory_space<semaphore_mem>>
      %dma_start3A_270 = arith.constant 0 : i32
      %dma_start3A_271 = tpu.memref_slice %arg4[%add3A_248, %dma_start3A_270] : memref<20480x128xf32, #tpu.memory_space<hbm>> -> memref<128x128xf32, #tpu.memory_space<hbm>>
      %dma_start3A_272 = arith.constant 0 : i32
      %dma_start3A_273 = tpu.memref_slice %arg4[%add3A_248, %dma_start3A_272] : memref<20480x128xf32, #tpu.memory_space<hbm>> -> memref<128x128xf32, #tpu.memory_space<hbm>>
      tpu.enqueue_dma source(%arg10 : memref<128x128xf32, #tpu.memory_space<vmem>>) target(%dma_start3A_273 : memref<128x128xf32, #tpu.memory_space<hbm>>) target_semaphore(%run_scoped3A : memref<!tpu.dma_semaphore, #tpu.memory_space<semaphore_mem>>)
      %dma_wait3A_274 = arith.constant 0 : i32
      %dma_wait3A_275 = tpu.memref_slice %arg4[%add3A_248, %dma_wait3A_274] : memref<20480x128xf32, #tpu.memory_space<hbm>> -> memref<128x128xf32, #tpu.memory_space<hbm>>
      %dma_wait3A_276 = arith.constant 0 : i32
      %dma_wait3A_277 = tpu.memref_slice %arg4[%add3A_248, %dma_wait3A_276] : memref<20480x128xf32, #tpu.memory_space<hbm>> -> memref<128x128xf32, #tpu.memory_space<hbm>>
      tpu.wait_dma2 semaphore(%run_scoped3A : memref<!tpu.dma_semaphore, #tpu.memory_space<semaphore_mem>>) src(%arg10 : memref<128x128xf32, #tpu.memory_space<vmem>>) dst(%dma_wait3A_277 : memref<128x128xf32, #tpu.memory_space<hbm>>)
      tpu.yield
    }) : () -> ()
    %mul3A_249 = arith.constant 640 : i32
    %mul3A_250 = arith.muli %arg1, %mul3A_249 : i32
    %add3A_251 = arith.constant 256 : i32
    %add3A_252 = arith.addi %mul3A_250, %add3A_251 : i32
    "tpu.region"() ({
      %run_scoped3A = tpu.sem_alloc : memref<!tpu.dma_semaphore, #tpu.memory_space<semaphore_mem>>
      %dma_start3A_270 = arith.constant 0 : i32
      %dma_start3A_271 = tpu.memref_slice %arg16[%add3A_252, %dma_start3A_270] : memref<10240x128xf32, #tpu.memory_space<vmem_shared>> -> memref<128x128xf32, #tpu.memory_space<vmem_shared>>
      %dma_start3A_272 = arith.constant 0 : i32
      %dma_start3A_273 = tpu.memref_slice %arg16[%add3A_252, %dma_start3A_272] : memref<10240x128xf32, #tpu.memory_space<vmem_shared>> -> memref<128x128xf32, #tpu.memory_space<vmem_shared>>
      tpu.enqueue_dma source(%dma_start3A_273 : memref<128x128xf32, #tpu.memory_space<vmem_shared>>) target(%arg10 : memref<128x128xf32, #tpu.memory_space<vmem>>) target_semaphore(%run_scoped3A : memref<!tpu.dma_semaphore, #tpu.memory_space<semaphore_mem>>)
      %dma_wait3A_274 = arith.constant 0 : i32
      %dma_wait3A_275 = tpu.memref_slice %arg16[%add3A_252, %dma_wait3A_274] : memref<10240x128xf32, #tpu.memory_space<vmem_shared>> -> memref<128x128xf32, #tpu.memory_space<vmem_shared>>
      %dma_wait3A_276 = arith.constant 0 : i32
      %dma_wait3A_277 = tpu.memref_slice %arg16[%add3A_252, %dma_wait3A_276] : memref<10240x128xf32, #tpu.memory_space<vmem_shared>> -> memref<128x128xf32, #tpu.memory_space<vmem_shared>>
      tpu.wait_dma2 semaphore(%run_scoped3A : memref<!tpu.dma_semaphore, #tpu.memory_space<semaphore_mem>>) src(%dma_wait3A_277 : memref<128x128xf32, #tpu.memory_space<vmem_shared>>) dst(%arg10 : memref<128x128xf32, #tpu.memory_space<vmem>>)
      tpu.yield
    }) : () -> ()
    %mul3A_253 = arith.constant 10240 : i32
    %mul3A_254 = arith.muli %arg0, %mul3A_253 : i32
    %add3A_255 = arith.addi %mul3A_254, %add3A_252 : i32
    "tpu.region"() ({
      %run_scoped3A = tpu.sem_alloc : memref<!tpu.dma_semaphore, #tpu.memory_space<semaphore_mem>>
      %dma_start3A_270 = arith.constant 0 : i32
      %dma_start3A_271 = tpu.memref_slice %arg4[%add3A_255, %dma_start3A_270] : memref<20480x128xf32, #tpu.memory_space<hbm>> -> memref<128x128xf32, #tpu.memory_space<hbm>>
      %dma_start3A_272 = arith.constant 0 : i32
      %dma_start3A_273 = tpu.memref_slice %arg4[%add3A_255, %dma_start3A_272] : memref<20480x128xf32, #tpu.memory_space<hbm>> -> memref<128x128xf32, #tpu.memory_space<hbm>>
      tpu.enqueue_dma source(%arg10 : memref<128x128xf32, #tpu.memory_space<vmem>>) target(%dma_start3A_273 : memref<128x128xf32, #tpu.memory_space<hbm>>) target_semaphore(%run_scoped3A : memref<!tpu.dma_semaphore, #tpu.memory_space<semaphore_mem>>)
      %dma_wait3A_274 = arith.constant 0 : i32
      %dma_wait3A_275 = tpu.memref_slice %arg4[%add3A_255, %dma_wait3A_274] : memref<20480x128xf32, #tpu.memory_space<hbm>> -> memref<128x128xf32, #tpu.memory_space<hbm>>
      %dma_wait3A_276 = arith.constant 0 : i32
      %dma_wait3A_277 = tpu.memref_slice %arg4[%add3A_255, %dma_wait3A_276] : memref<20480x128xf32, #tpu.memory_space<hbm>> -> memref<128x128xf32, #tpu.memory_space<hbm>>
      tpu.wait_dma2 semaphore(%run_scoped3A : memref<!tpu.dma_semaphore, #tpu.memory_space<semaphore_mem>>) src(%arg10 : memref<128x128xf32, #tpu.memory_space<vmem>>) dst(%dma_wait3A_277 : memref<128x128xf32, #tpu.memory_space<hbm>>)
      tpu.yield
    }) : () -> ()
    %mul3A_256 = arith.constant 640 : i32
    %mul3A_257 = arith.muli %arg1, %mul3A_256 : i32
    %add3A_258 = arith.constant 384 : i32
    %add3A_259 = arith.addi %mul3A_257, %add3A_258 : i32
    "tpu.region"() ({
      %run_scoped3A = tpu.sem_alloc : memref<!tpu.dma_semaphore, #tpu.memory_space<semaphore_mem>>
      %dma_start3A_270 = arith.constant 0 : i32
      %dma_start3A_271 = tpu.memref_slice %arg16[%add3A_259, %dma_start3A_270] : memref<10240x128xf32, #tpu.memory_space<vmem_shared>> -> memref<128x128xf32, #tpu.memory_space<vmem_shared>>
      %dma_start3A_272 = arith.constant 0 : i32
      %dma_start3A_273 = tpu.memref_slice %arg16[%add3A_259, %dma_start3A_272] : memref<10240x128xf32, #tpu.memory_space<vmem_shared>> -> memref<128x128xf32, #tpu.memory_space<vmem_shared>>
      tpu.enqueue_dma source(%dma_start3A_273 : memref<128x128xf32, #tpu.memory_space<vmem_shared>>) target(%arg10 : memref<128x128xf32, #tpu.memory_space<vmem>>) target_semaphore(%run_scoped3A : memref<!tpu.dma_semaphore, #tpu.memory_space<semaphore_mem>>)
      %dma_wait3A_274 = arith.constant 0 : i32
      %dma_wait3A_275 = tpu.memref_slice %arg16[%add3A_259, %dma_wait3A_274] : memref<10240x128xf32, #tpu.memory_space<vmem_shared>> -> memref<128x128xf32, #tpu.memory_space<vmem_shared>>
      %dma_wait3A_276 = arith.constant 0 : i32
      %dma_wait3A_277 = tpu.memref_slice %arg16[%add3A_259, %dma_wait3A_276] : memref<10240x128xf32, #tpu.memory_space<vmem_shared>> -> memref<128x128xf32, #tpu.memory_space<vmem_shared>>
      tpu.wait_dma2 semaphore(%run_scoped3A : memref<!tpu.dma_semaphore, #tpu.memory_space<semaphore_mem>>) src(%dma_wait3A_277 : memref<128x128xf32, #tpu.memory_space<vmem_shared>>) dst(%arg10 : memref<128x128xf32, #tpu.memory_space<vmem>>)
      tpu.yield
    }) : () -> ()
    %mul3A_260 = arith.constant 10240 : i32
    %mul3A_261 = arith.muli %arg0, %mul3A_260 : i32
    %add3A_262 = arith.addi %mul3A_261, %add3A_259 : i32
    "tpu.region"() ({
      %run_scoped3A = tpu.sem_alloc : memref<!tpu.dma_semaphore, #tpu.memory_space<semaphore_mem>>
      %dma_start3A_270 = arith.constant 0 : i32
      %dma_start3A_271 = tpu.memref_slice %arg4[%add3A_262, %dma_start3A_270] : memref<20480x128xf32, #tpu.memory_space<hbm>> -> memref<128x128xf32, #tpu.memory_space<hbm>>
      %dma_start3A_272 = arith.constant 0 : i32
      %dma_start3A_273 = tpu.memref_slice %arg4[%add3A_262, %dma_start3A_272] : memref<20480x128xf32, #tpu.memory_space<hbm>> -> memref<128x128xf32, #tpu.memory_space<hbm>>
      tpu.enqueue_dma source(%arg10 : memref<128x128xf32, #tpu.memory_space<vmem>>) target(%dma_start3A_273 : memref<128x128xf32, #tpu.memory_space<hbm>>) target_semaphore(%run_scoped3A : memref<!tpu.dma_semaphore, #tpu.memory_space<semaphore_mem>>)
      %dma_wait3A_274 = arith.constant 0 : i32
      %dma_wait3A_275 = tpu.memref_slice %arg4[%add3A_262, %dma_wait3A_274] : memref<20480x128xf32, #tpu.memory_space<hbm>> -> memref<128x128xf32, #tpu.memory_space<hbm>>
      %dma_wait3A_276 = arith.constant 0 : i32
      %dma_wait3A_277 = tpu.memref_slice %arg4[%add3A_262, %dma_wait3A_276] : memref<20480x128xf32, #tpu.memory_space<hbm>> -> memref<128x128xf32, #tpu.memory_space<hbm>>
      tpu.wait_dma2 semaphore(%run_scoped3A : memref<!tpu.dma_semaphore, #tpu.memory_space<semaphore_mem>>) src(%arg10 : memref<128x128xf32, #tpu.memory_space<vmem>>) dst(%dma_wait3A_277 : memref<128x128xf32, #tpu.memory_space<hbm>>)
      tpu.yield
    }) : () -> ()
    %mul3A_263 = arith.constant 640 : i32
    %mul3A_264 = arith.muli %arg1, %mul3A_263 : i32
    %add3A_265 = arith.constant 512 : i32
    %add3A_266 = arith.addi %mul3A_264, %add3A_265 : i32
    "tpu.region"() ({
      %run_scoped3A = tpu.sem_alloc : memref<!tpu.dma_semaphore, #tpu.memory_space<semaphore_mem>>
      %dma_start3A_270 = arith.constant 0 : i32
      %dma_start3A_271 = tpu.memref_slice %arg16[%add3A_266, %dma_start3A_270] : memref<10240x128xf32, #tpu.memory_space<vmem_shared>> -> memref<128x128xf32, #tpu.memory_space<vmem_shared>>
      %dma_start3A_272 = arith.constant 0 : i32
      %dma_start3A_273 = tpu.memref_slice %arg16[%add3A_266, %dma_start3A_272] : memref<10240x128xf32, #tpu.memory_space<vmem_shared>> -> memref<128x128xf32, #tpu.memory_space<vmem_shared>>
      tpu.enqueue_dma source(%dma_start3A_273 : memref<128x128xf32, #tpu.memory_space<vmem_shared>>) target(%arg10 : memref<128x128xf32, #tpu.memory_space<vmem>>) target_semaphore(%run_scoped3A : memref<!tpu.dma_semaphore, #tpu.memory_space<semaphore_mem>>)
      %dma_wait3A_274 = arith.constant 0 : i32
      %dma_wait3A_275 = tpu.memref_slice %arg16[%add3A_266, %dma_wait3A_274] : memref<10240x128xf32, #tpu.memory_space<vmem_shared>> -> memref<128x128xf32, #tpu.memory_space<vmem_shared>>
      %dma_wait3A_276 = arith.constant 0 : i32
      %dma_wait3A_277 = tpu.memref_slice %arg16[%add3A_266, %dma_wait3A_276] : memref<10240x128xf32, #tpu.memory_space<vmem_shared>> -> memref<128x128xf32, #tpu.memory_space<vmem_shared>>
      tpu.wait_dma2 semaphore(%run_scoped3A : memref<!tpu.dma_semaphore, #tpu.memory_space<semaphore_mem>>) src(%dma_wait3A_277 : memref<128x128xf32, #tpu.memory_space<vmem_shared>>) dst(%arg10 : memref<128x128xf32, #tpu.memory_space<vmem>>)
      tpu.yield
    }) : () -> ()
    %mul3A_267 = arith.constant 10240 : i32
    %mul3A_268 = arith.muli %arg0, %mul3A_267 : i32
    %add3A_269 = arith.addi %mul3A_268, %add3A_266 : i32
    "tpu.region"() ({
      %run_scoped3A = tpu.sem_alloc : memref<!tpu.dma_semaphore, #tpu.memory_space<semaphore_mem>>
      %dma_start3A_270 = arith.constant 0 : i32
      %dma_start3A_271 = tpu.memref_slice %arg4[%add3A_269, %dma_start3A_270] : memref<20480x128xf32, #tpu.memory_space<hbm>> -> memref<128x128xf32, #tpu.memory_space<hbm>>
      %dma_start3A_272 = arith.constant 0 : i32
      %dma_start3A_273 = tpu.memref_slice %arg4[%add3A_269, %dma_start3A_272] : memref<20480x128xf32, #tpu.memory_space<hbm>> -> memref<128x128xf32, #tpu.memory_space<hbm>>
      tpu.enqueue_dma source(%arg10 : memref<128x128xf32, #tpu.memory_space<vmem>>) target(%dma_start3A_273 : memref<128x128xf32, #tpu.memory_space<hbm>>) target_semaphore(%run_scoped3A : memref<!tpu.dma_semaphore, #tpu.memory_space<semaphore_mem>>)
      %dma_wait3A_274 = arith.constant 0 : i32
      %dma_wait3A_275 = tpu.memref_slice %arg4[%add3A_269, %dma_wait3A_274] : memref<20480x128xf32, #tpu.memory_space<hbm>> -> memref<128x128xf32, #tpu.memory_space<hbm>>
      %dma_wait3A_276 = arith.constant 0 : i32
      %dma_wait3A_277 = tpu.memref_slice %arg4[%add3A_269, %dma_wait3A_276] : memref<20480x128xf32, #tpu.memory_space<hbm>> -> memref<128x128xf32, #tpu.memory_space<hbm>>
      tpu.wait_dma2 semaphore(%run_scoped3A : memref<!tpu.dma_semaphore, #tpu.memory_space<semaphore_mem>>) src(%arg10 : memref<128x128xf32, #tpu.memory_space<vmem>>) dst(%dma_wait3A_277 : memref<128x128xf32, #tpu.memory_space<hbm>>)
      tpu.yield
    }) : () -> ()
    return
  }
}

module attributes {stable_mosaic.version = 14 : i64} {
  func.func @_dense_y(%arg0: i32, %arg1: memref<512x128xf32, #tpu.memory_space<vmem>>, %arg2: memref<128x128xf32, #tpu.memory_space<vmem>>, %arg3: memref<512x1xf32, #tpu.memory_space<vmem>>, %arg4: memref<512x1xf32, #tpu.memory_space<vmem>>, %arg5: memref<512x128xf32, #tpu.memory_space<vmem>>, %arg6: memref<512x1xf32, #tpu.memory_space<vmem>>) attributes {dimension_semantics = [#tpu.dimension_semantics<arbitrary>], iteration_bounds = array<i64: 20>, scalar_prefetch = 0 : i64, scratch_operands = 0 : i64, tpu.core_type = #tpu.core_type<tc>, window_params = [{transform_indices = @transform_0, window_bounds = array<i64: 512, 128>}, {pipeline_mode = #tpu.pipeline_mode<synchronous>, transform_indices = @transform_1, window_bounds = array<i64: 128, 128>}, {transform_indices = @transform_2, window_bounds = array<i64: 512, 1>}, {transform_indices = @transform_3, window_bounds = array<i64: 512, 1>}, {transform_indices = @transform_4, window_bounds = array<i64: 512, 128>}, {transform_indices = @transform_5, window_bounds = array<i64: 512, 1>}]} {
    %get3A = arith.constant 0 : index
    %get3A_0 = arith.constant 0 : index
    %get3A_1 = vector.load %arg3[%get3A, %get3A_0] : memref<512x1xf32, #tpu.memory_space<vmem>>, vector<512x1xf32>
    %get3A_2 = arith.constant 0 : index
    %get3A_3 = arith.constant 0 : index
    %get3A_4 = vector.load %arg4[%get3A_2, %get3A_3] : memref<512x1xf32, #tpu.memory_space<vmem>>, vector<512x1xf32>
    %add3A = arith.addf %get3A_1, %get3A_4 : vector<512x1xf32>
    %add3A_5 = arith.constant 1.000000e+00 : f32
    %add3A_6 = vector.broadcast %add3A_5 : f32 to vector<512x1xf32>
    %add3A_7 = arith.addf %add3A, %add3A_6 : vector<512x1xf32>
    %rsqrt3A = math.rsqrt %add3A_7 : vector<512x1xf32>
    %get3A_8 = arith.constant 0 : index
    %get3A_9 = arith.constant 0 : index
    %get3A_10 = vector.load %arg1[%get3A_8, %get3A_9] : memref<512x128xf32, #tpu.memory_space<vmem>>, vector<512x128xf32>
    %ge3A = arith.constant 0.000000e+00 : f32
    %ge3A_11 = vector.broadcast %ge3A : f32 to vector<512x128xf32>
    %ge3A_12 = arith.cmpf oge, %get3A_10, %ge3A_11 : vector<512x128xf32>
    %get3A_13 = arith.constant 0 : index
    %get3A_14 = arith.constant 0 : index
    %get3A_15 = vector.load %arg1[%get3A_13, %get3A_14] : memref<512x128xf32, #tpu.memory_space<vmem>>, vector<512x128xf32>
    %get3A_16 = arith.constant 0 : index
    %get3A_17 = arith.constant 0 : index
    %get3A_18 = vector.load %arg1[%get3A_16, %get3A_17] : memref<512x128xf32, #tpu.memory_space<vmem>>, vector<512x128xf32>
    %mul3A = arith.constant 5.000000e-01 : f32
    %mul3A_19 = vector.broadcast %mul3A : f32 to vector<512x128xf32>
    %mul3A_20 = arith.mulf %mul3A_19, %get3A_18 : vector<512x128xf32>
    %select_n3A = arith.select %ge3A_12, %get3A_15, %mul3A_20 : vector<512x128xi1>, vector<512x128xf32>
    %get3A_21 = arith.constant 0 : index
    %get3A_22 = arith.constant 0 : index
    %get3A_23 = vector.load %arg2[%get3A_21, %get3A_22] : memref<128x128xf32, #tpu.memory_space<vmem>>, vector<128x128xf32>
    %dot_general3A = arith.constant dense<0.000000e+00> : vector<512x128xf32>
    %dot_general3A_24 = tpu.matmul %select_n3A, %get3A_23, %dot_general3A {dimension_numbers = #tpu.dot_dimension_numbers<[1], [0], [0], [1], [0, 0, 1, 1], [], []>, precision = #tpu.contract_precision<fp32>, transpose_lhs_hint = false} : vector<512x128xf32>, vector<128x128xf32>, vector<512x128xf32> -> vector<512x128xf32>
    %mul3A_25 = vector.broadcast %rsqrt3A : vector<512x1xf32> to vector<512x128xf32>
    %mul3A_26 = arith.mulf %dot_general3A_24, %mul3A_25 : vector<512x128xf32>
    %swap3A = arith.constant 0 : index
    %swap3A_27 = arith.constant 0 : index
    %swap3A_28 = vector.load %arg5[%swap3A, %swap3A_27] : memref<512x128xf32, #tpu.memory_space<vmem>>, vector<512x128xf32>
    tpu.vector_store %arg5[%swap3A, %swap3A_27], %mul3A_26 {strides = array<i32>} : memref<512x128xf32, #tpu.memory_space<vmem>>, vector<512x128xf32>,
    %swap3A_29 = arith.constant 0 : index
    %swap3A_30 = arith.constant 0 : index
    %swap3A_31 = vector.load %arg6[%swap3A_29, %swap3A_30] : memref<512x1xf32, #tpu.memory_space<vmem>>, vector<512x1xf32>
    tpu.vector_store %arg6[%swap3A_29, %swap3A_30], %rsqrt3A {strides = array<i32>} : memref<512x1xf32, #tpu.memory_space<vmem>>, vector<512x1xf32>,
    return
  }
  func.func @transform_0(%arg0: i32) -> (i32, i32) {
    %c0_i32 = arith.constant 0 : i32
    %c0_i32_0 = arith.constant 0 : i32
    return %arg0, %c0_i32 : i32, i32
  }
  func.func @transform_1(%arg0: i32) -> (i32, i32) {
    %c0_i32 = arith.constant 0 : i32
    %c0_i32_0 = arith.constant 0 : i32
    %c0_i32_1 = arith.constant 0 : i32
    return %c0_i32, %c0_i32_0 : i32, i32
  }
  func.func @transform_2(%arg0: i32) -> (i32, i32) {
    %c0_i32 = arith.constant 0 : i32
    %c0_i32_0 = arith.constant 0 : i32
    return %arg0, %c0_i32 : i32, i32
  }
  func.func @transform_3(%arg0: i32) -> (i32, i32) {
    %c0_i32 = arith.constant 0 : i32
    %c0_i32_0 = arith.constant 0 : i32
    return %arg0, %c0_i32 : i32, i32
  }
  func.func @transform_4(%arg0: i32) -> (i32, i32) {
    %c0_i32 = arith.constant 0 : i32
    %c0_i32_0 = arith.constant 0 : i32
    return %arg0, %c0_i32 : i32, i32
  }
  func.func @transform_5(%arg0: i32) -> (i32, i32) {
    %c0_i32 = arith.constant 0 : i32
    %c0_i32_0 = arith.constant 0 : i32
    return %arg0, %c0_i32 : i32, i32
  }
}

module attributes {stable_mosaic.version = 14 : i64} {
  func.func @_dense_fin(%arg0: i32, %arg1: memref<512x128xf32, #tpu.memory_space<vmem>>, %arg2: memref<512x128xf32, #tpu.memory_space<vmem>>, %arg3: memref<512x128xf32, #tpu.memory_space<vmem>>, %arg4: memref<512x1xf32, #tpu.memory_space<vmem>>, %arg5: memref<1x128xf32, #tpu.memory_space<vmem>>, %arg6: memref<512x128xf32, #tpu.memory_space<vmem>>) attributes {dimension_semantics = [#tpu.dimension_semantics<arbitrary>], iteration_bounds = array<i64: 20>, scalar_prefetch = 0 : i64, scratch_operands = 0 : i64, tpu.core_type = #tpu.core_type<tc>, window_params = [{transform_indices = @transform_0, window_bounds = array<i64: 512, 128>}, {transform_indices = @transform_1, window_bounds = array<i64: 512, 128>}, {transform_indices = @transform_2, window_bounds = array<i64: 512, 128>}, {transform_indices = @transform_3, window_bounds = array<i64: 512, 1>}, {pipeline_mode = #tpu.pipeline_mode<synchronous>, transform_indices = @transform_4, window_bounds = array<i64: 1, 128>}, {transform_indices = @transform_5, window_bounds = array<i64: 512, 128>}]} {
    %get3A = arith.constant 0 : index
    %get3A_0 = arith.constant 0 : index
    %get3A_1 = vector.load %arg1[%get3A, %get3A_0] : memref<512x128xf32, #tpu.memory_space<vmem>>, vector<512x128xf32>
    %get3A_2 = arith.constant 0 : index
    %get3A_3 = arith.constant 0 : index
    %get3A_4 = vector.load %arg2[%get3A_2, %get3A_3] : memref<512x128xf32, #tpu.memory_space<vmem>>, vector<512x128xf32>
    %add3A = arith.addf %get3A_1, %get3A_4 : vector<512x128xf32>
    %get3A_5 = arith.constant 0 : index
    %get3A_6 = arith.constant 0 : index
    %get3A_7 = vector.load %arg3[%get3A_5, %get3A_6] : memref<512x128xf32, #tpu.memory_space<vmem>>, vector<512x128xf32>
    %add3A_8 = arith.addf %add3A, %get3A_7 : vector<512x128xf32>
    %get3A_9 = arith.constant 0 : index
    %get3A_10 = arith.constant 0 : index
    %get3A_11 = vector.load %arg4[%get3A_9, %get3A_10] : memref<512x1xf32, #tpu.memory_space<vmem>>, vector<512x1xf32>
    %mul3A = vector.broadcast %get3A_11 : vector<512x1xf32> to vector<512x128xf32>
    %mul3A_12 = arith.mulf %add3A_8, %mul3A : vector<512x128xf32>
    %get3A_13 = arith.constant 0 : index
    %get3A_14 = arith.constant 0 : index
    %get3A_15 = vector.load %arg5[%get3A_13, %get3A_14] : memref<1x128xf32, #tpu.memory_space<vmem>>, vector<1x128xf32>
    %add3A_16 = vector.broadcast %get3A_15 : vector<1x128xf32> to vector<512x128xf32>
    %add3A_17 = arith.addf %mul3A_12, %add3A_16 : vector<512x128xf32>
    %swap3A = arith.constant 0 : index
    %swap3A_18 = arith.constant 0 : index
    %swap3A_19 = vector.load %arg6[%swap3A, %swap3A_18] : memref<512x128xf32, #tpu.memory_space<vmem>>, vector<512x128xf32>
    tpu.vector_store %arg6[%swap3A, %swap3A_18], %add3A_17 {strides = array<i32>} : memref<512x128xf32, #tpu.memory_space<vmem>>, vector<512x128xf32>,
    return
  }
  func.func @transform_0(%arg0: i32) -> (i32, i32) {
    %c0_i32 = arith.constant 0 : i32
    %c0_i32_0 = arith.constant 0 : i32
    return %arg0, %c0_i32 : i32, i32
  }
  func.func @transform_1(%arg0: i32) -> (i32, i32) {
    %c0_i32 = arith.constant 0 : i32
    %c0_i32_0 = arith.constant 0 : i32
    return %arg0, %c0_i32 : i32, i32
  }
  func.func @transform_2(%arg0: i32) -> (i32, i32) {
    %c0_i32 = arith.constant 0 : i32
    %c0_i32_0 = arith.constant 0 : i32
    return %arg0, %c0_i32 : i32, i32
  }
  func.func @transform_3(%arg0: i32) -> (i32, i32) {
    %c0_i32 = arith.constant 0 : i32
    %c0_i32_0 = arith.constant 0 : i32
    return %arg0, %c0_i32 : i32, i32
  }
  func.func @transform_4(%arg0: i32) -> (i32, i32) {
    %c0_i32 = arith.constant 0 : i32
    %c0_i32_0 = arith.constant 0 : i32
    %c0_i32_1 = arith.constant 0 : i32
    return %c0_i32, %c0_i32_0 : i32, i32
  }
  func.func @transform_5(%arg0: i32) -> (i32, i32) {
    %c0_i32 = arith.constant 0 : i32
    %c0_i32_0 = arith.constant 0 : i32
    return %arg0, %c0_i32 : i32, i32
  }
}

</mosaic_0001>

<sc_bundles>
// kernel: kernel.6.cloned.1.call-start
scs
__scs_entry_jumppad:
0x0: {  	(pc) =	sbr.rel $0x88, $3  }
0x1: {  	(tag) =	ssettag $0x0;
	lr =	simm.s32 $0x1  }
0x2: {  	[smem:$0x3F9D] =	sst lr;
	_ =	strace $0xD0000000  }
0x3: {  	_ = 	snop  }
0x4: {  	_ = 	snop  }
0x5: {  	_ = 	snop  }
0x6: {  	_ = 	snop  }
0x7: {  	_ = 	snop  }
__scs_overlays_trampoline_lowered:
0x8: {  	[smem:$0x3FAC] =	sst s0  }
0x9: {  	[smem:$0x3FAD] =	sst s1  }
0xa: {  	[smem:$0x3FAE] =	sst s2  }
0xb: {  	[smem:$0x3FAF] =	sst s3  }
0xc: {  	[smem:$0x3FB0] =	sst s4  }
0xd: {  	[smem:$0x3FB1] =	sst s5  }
0xe: {  	[smem:$0x3FB2] =	sst s6  }
0xf: {  	[smem:$0x3FB3] =	sst s7  }
0x10: {  	[smem:$0x3FB4] =	sst s8  }
0x11: {  	[smem:$0x3FB5] =	sst s9;
	s0 =	simm.s32 @!p0 $0x0  }
0x12: {  	s1 =	sld [smem:$0x3F9B];
	s0 =	simm.s32 @p0 $0x1  }
0x13: {  	[smem:$0x3FB6] =	sst s0;
	s0 =	simm.s32 @!p1 $0x0  }
0x14: {  	s2 =	sld [smem:$0x3F9A];
	s0 =	simm.s32 @p1 $0x1  }
0x15: {  	[smem:$0x3FB7] =	sst s0;
	s0 =	simm.s32 @!p2 $0x0  }
0x16: {  	s3 =	sld [smem:$0x3FDB];
	s0 =	simm.s32 @p2 $0x1  }
0x17: {  	s4 =	simm.s32 $0x1BF5;
	[smem:$0x3FB9] =	sst s0  }
0x18: {  	s0 =	sld [smem:$0x3F9C];
	_ =	swait.ge [sflag:s4], $0x0  }
0x19: {  	s7 =	sld [smem:$0x3F9D]  }
0x1a: {  	s8 =	sadd.s32 $0xFFFFE003, lr  }
0x1b: {  	s9 =	sadd.s32 $0xFFFFFEF7, lr;
	s5 =	simm.s32 $0xFFFFFFFF;
	p2 =	slt.u32 s8, $0xFFFFF086  }
0x1c: {  	p1 =	slt.u32 s9, $0xF7A;
	s5 =	simm.s32 @!p2 $0x0  }
0x1d: {  	s5 =	simm.s32 @p1 $0x1;
	p0 =	seq.s32 s7, s2  }
0x1e: {  	s7 =	smul.u32 @!p0 $0xF7A, s2;
	p2 =	seq.s32 @!p0 s5, $0x0  }
0x1f: {  	s9 =	smul.u32 $0xF7A, s1;
	s8 =	simm.s32 @!p0 $0x1BF5;
	p2 =	por !p2, p0  }
0x20: {  	[sflag:s8] =	ssyncset.s32 @!p0 $0xFFFFF086;
	s6 =	sadd.s32 @!p0 s3, s7;
	s7 =	simm.s32 @!p0 $0x108  }
0x21: {  	s3 =	sadd.s32 s3, s9;
	s6 =	sadd.s32 @!p0 $0x88, s6;
	s7 =	simm.s32 @p2 $0x1082  }
0x22: {  	[simem:s7], [sflag:s8] =	dma.local @!p0 [hbm:s6], $0xF7A  }
0x23: {  	s9 =	sor.u32 $0xD0000000, s2;
	s6 =	simm.s32 $0x108;
	_ =	swait.ge @!p0 [sflag:s8], $0x0  }
0x24: {  	s3 =	sadd.s32 $0x88, s3;
	s6 =	simm.s32 @!p1 $0x1082;
	[sflag:s4] =	ssyncset.s32 $0xFFFFF086  }
0x25: {  	[simem:s6], [sflag:s4] =	dma.local [hbm:s3], $0xF7A  }
0x26: {  	[smem:$0x3F9D] =	sst s1;
	(tag) =	ssettag s2;
	_ =	strace s9  }
0x27: {  	s1 =	sld [smem:$0x3FAD]  }
0x28: {  	s2 =	sld [smem:$0x3FAE]  }
0x29: {  	s4 =	sld [smem:$0x3FB0]  }
0x2a: {  	p0 =	seq.s32 s5, $0x0;
	s5 =	sld [smem:$0x3FB1]  }
0x2b: {  	s6 =	sld [smem:$0x3FB2]  }
0x2c: {  	s7 =	sld [smem:$0x3FB3]  }
0x2d: {  	s3 =	simm.s32 $0x108;
	s8 =	sld [smem:$0x3FB4]  }
0x2e: {  	s3 =	simm.s32 @!p0 $0x1082;
	s9 =	sld [smem:$0x3FB5]  }
0x2f: {  	lr =	sadd.s32 s0, s3;
	s0 =	sld [smem:$0x3FAC]  }
0x30: {  	s3 =	sld [smem:$0x3FAF]  }
0x31: {  	[smem:$0x3FB8] =	sst s10  }
0x32: {  	s10 =	sld [smem:$0x3FB6];
	_ =	sdelay $0x3  }
0x33: {  	p0 =	seq.s32 s10, $0x1;
	s10 =	sld [smem:$0x3FB8];
	_ =	sdelay $0x3  }
0x34: {  	[smem:$0x3FB8] =	sst s10  }
0x35: {  	s10 =	sld [smem:$0x3FB7];
	_ =	sdelay $0x3  }
0x36: {  	p1 =	seq.s32 s10, $0x1;
	s10 =	sld [smem:$0x3FB8];
	_ =	sdelay $0x3  }
0x37: {  	[smem:$0x3FB8] =	sst s10  }
0x38: {  	s10 =	sld [smem:$0x3FB9]  }
0x39: {  	_ = 	snop;
	(pc) =	sbr.ind lr, $3  }
0x3a: {  	_ = 	snop  }
0x3b: {  	_ = 	snop  }
0x3c: {  	p2 =	seq.s32 s10, $0x1;
	s10 =	sld [smem:$0x3FB8]  }
0x3d: {  	_ =	shalt  }
0x3e: {  	_ =	shalt  }
0x3f: {  	_ =	shalt  }
0x40: {  	_ =	shalt  }
0x41: {  	_ =	shalt  }
0x42: {  	_ =	shalt  }
0x43: {  	_ =	shalt  }
0x44: {  	_ =	shalt  }
0x45: {  	_ =	shalt  }
0x46: {  	_ =	shalt  }
0x47: {  	_ =	shalt  }
0x48: {  	_ =	shalt  }
0x49: {  	_ =	shalt  }
0x4a: {  	_ =	shalt  }
0x4b: {  	_ =	shalt  }
0x4c: {  	_ =	shalt  }
0x4d: {  	_ =	shalt  }
0x4e: {  	_ =	shalt  }
0x4f: {  	_ =	shalt  }
0x50: {  	_ =	shalt  }
0x51: {  	_ =	shalt  }
0x52: {  	_ =	shalt  }
0x53: {  	_ =	shalt  }
0x54: {  	_ =	shalt  }
0x55: {  	_ =	shalt  }
0x56: {  	_ =	shalt  }
0x57: {  	_ =	shalt  }
0x58: {  	_ =	shalt  }
0x59: {  	_ =	shalt  }
0x5a: {  	_ =	shalt  }
0x5b: {  	_ =	shalt  }
0x5c: {  	_ =	shalt  }
0x5d: {  	_ =	shalt  }
0x5e: {  	_ =	shalt  }
0x5f: {  	_ =	shalt  }
0x60: {  	_ =	shalt  }
0x61: {  	_ =	shalt  }
0x62: {  	_ =	shalt  }
0x63: {  	_ =	shalt  }
0x64: {  	_ =	shalt  }
0x65: {  	_ =	shalt  }
0x66: {  	_ =	shalt  }
0x67: {  	_ =	shalt  }
0x68: {  	_ =	shalt  }
0x69: {  	_ =	shalt  }
0x6a: {  	_ =	shalt  }
0x6b: {  	_ =	shalt  }
0x6c: {  	_ =	shalt  }
0x6d: {  	_ =	shalt  }
0x6e: {  	_ =	shalt  }
0x6f: {  	_ =	shalt  }
0x70: {  	_ =	shalt  }
0x71: {  	_ =	shalt  }
0x72: {  	_ =	shalt  }
0x73: {  	_ =	shalt  }
0x74: {  	_ =	shalt  }
0x75: {  	_ =	shalt  }
0x76: {  	_ =	shalt  }
0x77: {  	_ =	shalt  }
0x78: {  	_ =	shalt  }
0x79: {  	_ =	shalt  }
0x7a: {  	_ =	shalt  }
0x7b: {  	_ =	shalt  }
0x7c: {  	_ =	shalt  }
0x7d: {  	_ =	shalt  }
0x7e: {  	_ =	shalt  }
0x7f: {  	_ =	shalt  }
0x80: {  	_ =	shalt  }
0x81: {  	_ =	shalt  }
0x82: {  	_ =	shalt  }
0x83: {  	_ =	shalt  }
0x84: {  	_ =	shalt  }
0x85: {  	_ =	shalt  }
0x86: {  	_ =	shalt  }
0x87: {  	_ =	shalt  }
.Lfunc_end0:
.L_simem_size_0:
called_computation_lowered:
.L_overlay_start_0:
0x88: {  	s2 =	sld [smem:$0x3FD9]  }
0x89: {  	s3 =	sld [smem:$0x3FFE];
	_ =	sdelay $0x1  }
0x8a: {  	s1 =	srdreg.scid  }
0x8b: {  	s0 =	sand.u32 $0x1, s1  }
0x8c: {  	s17 =	sshll.u32 s0, $0xA;
	s2 =	sadd.s32 s3, s2  }
0x8d: {  	s2 =	sadd.s32 s2, s17  }
0x8e: {  	[smem:$0x3FC4] =	sst s2  }
0x8f: {  	_ = 	snop  }
0x90: {  	s2 =	sld [smem:$0x3FD0];
	(tm) =	ssettm $0x1  }
0x91: {  	s18 =	sld [smem:$0x3FFB];
	_ =	sdelay $0x3  }
0x92: {  	_ =	strace s18  }
0x93: {  	s3 =	sld [smem:$0x3FFC];
	_ =	sdelay $0x3  }
0x94: {  	_ =	strace s3  }
0x95: {  	s3 =	sld [smem:$0x3FFD];
	_ =	sdelay $0x3  }
0x96: {  	_ =	strace s3  }
0x97: {  	_ =	strace $0x8FFFFFFF  }
0x98: {  	s19 =	sld [smem:$0x3FDB];
	_ =	sdelay $0x1  }
0x99: {  	s4 =	simm.s32 $_scs_section_size  }
0x9a: {  	s5 =	simm.s32 $_size__tile_overlayer_lowered;
	s6 =	simm.s32 $_tile_overlayer_lowered  }
0x9b: {  	s22 =	simm.s32 $0x1BFF;
	s21 =	sshll.u32 s6, $0x1;
	s3 =	sadd.s32 s4, s19  }
0x9c: {  	s7 =	simm.s32 $0x0;
	s20 =	sshll.u32 s5, $0x1;
	s5 =	sadd.s32 s21, s3  }
0x9d: {  	[timem:s7], [sflag:s22] =	dma.local [hbm:s5], s20  }
0x9e: {  	_ =	swait.ge [sflag:s22], s20  }
0x9f: {  	s4 =	ssub.s32 $0x0, s20;
	[sflag:s22] =	ssyncset.done $0x0  }
0xa0: {  	[sflag:s22] =	ssyncadd.s32 s4;
	_ =	sdelay $0x1  }
0xa1: {  	s23 =	simm.s32 $0x1B8B  }
0xa2: {  	_ =	swait.ge [sflag:s23], $0x1  }
0xa3: {  	[sflag:s23] =	ssyncset.done $0x0  }
0xa4: {  	s25 =	simm.s32 $0x1B8E;
	s24 =	sld [smem:$0x3FFE];
	[sflag:s23] =	ssyncadd.s32 $0xFFFFFFFF  }
0xa5: {  	s26 =	simm.s32 $execute0_lowered;
	[smem:$0x3FD2] =	sst s25  }
0xa6: {  	s5 =	sshll.u32 s26, $0x1;
	_ =	strace $0x80000046;
	[dreg:$0x1] =	wrdreg $0xFFFFFFFF  }
0xa7: {  	s28 =	simm.s32 $_size_execute0_lowered;
	s3 =	sadd.s32 s3, s5;
	[dreg:$0x0] =	wrdreg $0x0  }
0xa8: {  	s5 =	sshll.u32 s28, $0x1;
	[dreg:$0x2] =	wrdreg s3  }
0xa9: {  	[dreg:$0x3] =	wrdreg s5  }
0xaa: {  	[dreg:$0x4] =	wrdreg $0xC0  }
0xab: {  	_ =	task [dreg:s7], $0x5FFFF  }
0xac: {  	[dreg:$0x1] =	wrdreg $0xFFFFFFFF  }
0xad: {  	[dreg:$0x0] =	wrdreg $0x60  }
0xae: {  	[dreg:$0x2] =	wrdreg s2  }
0xaf: {  	[dreg:$0x3] =	wrdreg s24  }
0xb0: {  	[dreg:$0x4] =	wrdreg $0x2B800  }
0xb1: {  	[dreg:$0x5] =	wrdreg $0x9  }
0xb2: {  	_ =	task.clear_ibuf [dreg:s7], $0x6FFFF;
	_ =	strace $0x90000046  }
0xb3: {  	s29 =	simm.s32 $0x9;
	_ =	strace $0x80000048  }
0xb4: {  	_ =	swait.ge [sflag:s29], $0x1  }
0xb5: {  	[sflag:s29] =	ssyncadd.s32 $0xFFFFFFFF  }
0xb6: {  	_ =	strace $0x90000048  }
0xb7: {  	_ =	sfence  }
0xb8: {  	s30 =	sld [smem:$0x0];
	_ =	sdelay $0x2  }
0xb9: {  	s31 =	sshll.u32 s1, $0xD;
	s1 =	sshrl.u32 s1, $0x2  }
0xba: {  	s3 =	sand.u32 $0x4000, s31;
	s1 =	sadd.s32 s1, s30  }
0xbb: {  	s0 =	sor.u32 s3, s0;
	s1 =	sshll.u32 s1, $0x11  }
0xbc: {  	s0 =	sor.u32 s1, s0  }
0xbd: {  	s0 =	sadd.s32 $0x8F2B, s0  }
0xbe: {  	[sflag:s0] =	ssyncadd.remote.s32 $0x1  }
0xbf: {  	_ =	sfence.sel $0xFFFF  }
0xc0: {  	[dreg:$0x0] =	wrdreg $0xFFFFFFFF;
	(pc) =	sbr.abs _section_cstart, $3  }
0xc1: {  	[dreg:$0x1] =	wrdreg $0xFFFFFFFF  }
0xc2: {  	_ =	task.clear_ibuf [dreg:s7], $0x2FFFF;
	_ =	strace $0x9FFFFFFF  }
0xc3: {  	(tm) =	ssettm $0x7FFFFFFF  }
tec
execute0_lowered:
.L_overlay_start_1:
0x0: {  	(tag) =	ssettag $0x1  }
0x1: {  	s4 =	rddreg [dreg:$0x0]  }
0x2: {  	s5 =	rddreg [dreg:$0x1]  }
0x3: {  	s2 =	rddreg [dreg:$0x2];
	s3 =	srdreg.scid  }
0x4: {  	s1 =	stileid.u32;
	s0 =	rddreg [dreg:$0x3];
	s11 =	simm.s32 $0x2800  }
0x5: {  	s12 =	simm.s32 $0x2880;
	s13 =	simm.s32 $0x0;
	s6 =	sand.u32 $0x1, s3  }
0x6: {  	s7 =	smul.u32 $0x280, s1;
	s3 =	simm.s32 $0x0;
	s9 =	sshll.u32 s1, $0x1  }
0x7: {  	s8 =	smul.u32 $0x2800, s6;
	s9 =	sor.u32 s6, s9;
	s6 =	ssub.s32 $0x2, s6  }
0x8: {  	[smem:$0x7FF] =	sst s3;
	s9 =	smul.u32 $0x500, s9;
	s10 =	sshrl.u32 s6, $0x1  }
0x9: {  	_ =	strace $0x80000047;
	s8 =	sadd.s32 s7, s8;
	s10 =	ssub.s32 s6, s10  }
0xa: {  	s8 =	sshrl.u32 s8, $0x3;
	s4 =	sadd.s32 s4, s9;
	s9 =	simm.s32 $0x2900  }
0xb: {  	s8 =	sadd.s32 s8, s5;
	s5 =	sadd.s32 s7, s2;
	s7 =	smax.u32 s10, $0x1  }
0xc: {  	v0 =	vimm.f32 $1.000000000e+00;
	v1 =	vimm.f32 $0.0e+00;
	s10 =	simm.s32 $0x80;
	s6 =	sadd.s32 $0x1600, s8;
	s8 =	simm.s32 $0x1  }
.LBB2_1:
0xd: {  	[tilespmem:s3], [sflag:$0x1] =	stream.linear.gather [hbm4b:s4+s3], $0x2800, $0x38;
	[tilespmem:$0x2E00] =	vst v63  }
0xe: {  	_ =	swait.ge [sflag:s8], $0x2800  }
0xf: {  	[sflag:s8] =	ssyncset.done $0x0  }
0x10: {  	[sflag:s8] =	ssyncadd.s32 $0xFFFFD800  }
0x11: {  	[tilespmem:$0x2880] =	vst v0  }
0x12: {  	[tilespmem:$0x2890] =	vst v0  }
0x13: {  	[tilespmem:$0x28A0] =	vst v0  }
0x14: {  	[tilespmem:$0x28B0] =	vst v0  }
0x15: {  	[tilespmem:$0x28C0] =	vst v0  }
0x16: {  	[tilespmem:$0x28D0] =	vst v0  }
0x17: {  	[tilespmem:$0x28E0] =	vst v0  }
0x18: {  	[tilespmem:$0x28F0] =	vst v0  }
0x19: {  	[tilespmem:$0x2900] =	vst v1  }
0x1a: {  	[tilespmem:$0x2910] =	vst v1  }
0x1b: {  	[tilespmem:$0x2920] =	vst v1  }
0x1c: {  	[tilespmem:$0x2930] =	vst v1  }
0x1d: {  	[tilespmem:$0x2940] =	vst v1  }
0x1e: {  	[tilespmem:$0x2950] =	vst v1  }
0x1f: {  	[tilespmem:$0x2960] =	vst v1  }
0x20: {  	[tilespmem:$0x2970] =	vst v1  }
0x21: {  	[tilespmem:$0x2980] =	vst v1  }
0x22: {  	[tilespmem:$0x2990] =	vst v1  }
0x23: {  	[tilespmem:$0x29A0] =	vst v1  }
0x24: {  	[tilespmem:$0x29B0] =	vst v1  }
0x25: {  	[tilespmem:$0x29C0] =	vst v1  }
0x26: {  	[tilespmem:$0x29D0] =	vst v1  }
0x27: {  	[tilespmem:$0x29E0] =	vst v1  }
0x28: {  	[tilespmem:$0x29F0] =	vst v1  }
0x29: {  	[tilespmem:$0x2A00] =	vst v1  }
0x2a: {  	[tilespmem:$0x2A10] =	vst v1  }
0x2b: {  	[tilespmem:$0x2A20] =	vst v1  }
0x2c: {  	[tilespmem:$0x2A30] =	vst v1  }
0x2d: {  	[tilespmem:$0x2A40] =	vst v1  }
0x2e: {  	[tilespmem:$0x2A50] =	vst v1  }
0x2f: {  	[tilespmem:$0x2A60] =	vst v1  }
0x30: {  	[tilespmem:$0x2A70] =	vst v1  }
0x31: {  	[tilespmem:$0x2A80] =	vst v1  }
0x32: {  	[tilespmem:$0x2A90] =	vst v1  }
0x33: {  	[tilespmem:$0x2AA0] =	vst v1  }
0x34: {  	[tilespmem:$0x2AB0] =	vst v1  }
0x35: {  	[tilespmem:$0x2AC0] =	vst v1  }
0x36: {  	[tilespmem:$0x2AD0] =	vst v1  }
0x37: {  	[tilespmem:$0x2AE0] =	vst v1  }
0x38: {  	[tilespmem:$0x2AF0] =	vst v1  }
0x39: {  	[tilespmem:$0x2B00] =	vst v1  }
0x3a: {  	[tilespmem:$0x2B10] =	vst v1  }
0x3b: {  	[tilespmem:$0x2B20] =	vst v1  }
0x3c: {  	[tilespmem:$0x2B30] =	vst v1  }
0x3d: {  	[tilespmem:$0x2B40] =	vst v1  }
0x3e: {  	[tilespmem:$0x2B50] =	vst v1  }
0x3f: {  	[tilespmem:$0x2B60] =	vst v1  }
0x40: {  	[tilespmem:$0x2B70] =	vst v1  }
0x41: {  	[spmem:s5] =	stream.linear.scatter [tilespmem:s9], [sflag:$0x1], $0x280, $0x38;
	[tilespmem:$0x2E00] =	vst v63  }
0x42: {  	_ =	swait.ge [sflag:s8], $0x280  }
0x43: {  	[sflag:s8] =	ssyncset.done $0x0  }
0x44: {  	[sflag:s8] =	ssyncadd.s32 $0xFFFFFD80  }
0x45: {  	s14 =	simm.s32 $0x0;
	[bflag:$0x0] =	sbarrier.arrive $0xFFFF  }
0x46: {  	v2 =	vld [tilespmem:s14+$0x0];
	_ =	sdelay $0x4  }
0x47: {  	v2 =	vand.u32 $0x3FFF, v2  }
0x48: {  	[tilespmem:$0x2800] =	vst v2  }
0x49: {  	v2 =	vld [tilespmem:s14+$0x10];
	_ =	sdelay $0x4  }
0x4a: {  	v2 =	vand.u32 $0x3FFF, v2  }
0x4b: {  	[tilespmem:$0x2810] =	vst v2  }
0x4c: {  	v2 =	vld [tilespmem:s14+$0x20];
	_ =	sdelay $0x4  }
0x4d: {  	v2 =	vand.u32 $0x3FFF, v2  }
0x4e: {  	[tilespmem:$0x2820] =	vst v2  }
0x4f: {  	v2 =	vld [tilespmem:s14+$0x30];
	_ =	sdelay $0x4  }
0x50: {  	v2 =	vand.u32 $0x3FFF, v2  }
0x51: {  	[tilespmem:$0x2830] =	vst v2  }
0x52: {  	v2 =	vld [tilespmem:s14+$0x40];
	_ =	sdelay $0x4  }
0x53: {  	v2 =	vand.u32 $0x3FFF, v2  }
0x54: {  	[tilespmem:$0x2840] =	vst v2  }
0x55: {  	v2 =	vld [tilespmem:s14+$0x50];
	_ =	sdelay $0x4  }
0x56: {  	v2 =	vand.u32 $0x3FFF, v2  }
0x57: {  	[tilespmem:$0x2850] =	vst v2  }
0x58: {  	v2 =	vld [tilespmem:s14+$0x60];
	_ =	sdelay $0x4  }
0x59: {  	v2 =	vand.u32 $0x3FFF, v2  }
0x5a: {  	[tilespmem:$0x2860] =	vst v2  }
0x5b: {  	v2 =	vld [tilespmem:s14+$0x70];
	_ =	sdelay $0x4  }
0x5c: {  	v2 =	vand.u32 $0x3FFF, v2  }
0x5d: {  	[tilespmem:$0x2870] =	vst v2  }
0x5e: {  	[spmem:s2] =	stream.indirect.scatter.add.f32 [tilespmem:s12], [sflag:$0x1], $0x1, s11, s10, $0xb8;
	[tilespmem:$0x2E00] =	vst v63  }
0x5f: {  	_ =	swait.ge [sflag:s8], $0x80  }
0x60: {  	s17 =	simm.s32 $0x400;
	s14 =	simm.s32 $0x200;
	[sflag:s8] =	ssyncset.done $0x0  }
.LBB2_2:
0x61: {  	s16 =	sshra.s32 s14, $0x2  }
0x62: {  	[sflag:s8] =	ssyncadd.s32 $0xFFFFFF80;
	s14 =	smov.u32 s17;
	s15 =	sadd.s32 $0x200, s17  }
0x63: {  	p0 =	sne.s32 s17, $0x9E00;
	v2 =	vld [tilespmem:s16+$0x0];
	_ =	sdelay $0x4  }
0x64: {  	v2 =	vand.u32 $0x3FFF, v2  }
0x65: {  	[tilespmem:$0x2800] =	vst v2  }
0x66: {  	v2 =	vld [tilespmem:s16+$0x10];
	_ =	sdelay $0x4  }
0x67: {  	v2 =	vand.u32 $0x3FFF, v2  }
0x68: {  	[tilespmem:$0x2810] =	vst v2  }
0x69: {  	v2 =	vld [tilespmem:s16+$0x20];
	_ =	sdelay $0x4  }
0x6a: {  	v2 =	vand.u32 $0x3FFF, v2  }
0x6b: {  	[tilespmem:$0x2820] =	vst v2  }
0x6c: {  	v2 =	vld [tilespmem:s16+$0x30];
	_ =	sdelay $0x4  }
0x6d: {  	v2 =	vand.u32 $0x3FFF, v2  }
0x6e: {  	[tilespmem:$0x2830] =	vst v2  }
0x6f: {  	v2 =	vld [tilespmem:s16+$0x40];
	_ =	sdelay $0x4  }
0x70: {  	v2 =	vand.u32 $0x3FFF, v2  }
0x71: {  	[tilespmem:$0x2840] =	vst v2  }
0x72: {  	v2 =	vld [tilespmem:s16+$0x50];
	_ =	sdelay $0x4  }
0x73: {  	v2 =	vand.u32 $0x3FFF, v2  }
0x74: {  	[tilespmem:$0x2850] =	vst v2  }
0x75: {  	v2 =	vld [tilespmem:s16+$0x60];
	_ =	sdelay $0x4  }
0x76: {  	v2 =	vand.u32 $0x3FFF, v2  }
0x77: {  	[tilespmem:$0x2860] =	vst v2  }
0x78: {  	v2 =	vld [tilespmem:s16+$0x70];
	_ =	sdelay $0x4  }
.Ltmp0:
0x79: {  	v2 =	vand.u32 $0x3FFF, v2;
	(pc) =	sbr.rel @p0 .LBB2_2-.Ltmp0, $4  }
0x7a: {  	[tilespmem:$0x2870] =	vst v2  }
0x7b: {  	[spmem:s2] =	stream.indirect.scatter.add.f32 [tilespmem:s12], [sflag:$0x1], $0x1, s11, s10, $0xb8;
	[tilespmem:$0x2E00] =	vst v63  }
0x7c: {  	_ =	swait.ge [sflag:s8], $0x80  }
0x7d: {  	s17 =	smov.u32 s15;
	[sflag:s8] =	ssyncset.done $0x0  }
0x7e: {  	s14 =	sshra.s32 s14, $0x2;
	[sflag:s8] =	ssyncadd.s32 $0xFFFFFF80  }
0x7f: {  	v2 =	vld [tilespmem:s14+$0x0];
	_ =	sdelay $0x4  }
0x80: {  	v2 =	vand.u32 $0x3FFF, v2  }
0x81: {  	[tilespmem:$0x2800] =	vst v2  }
0x82: {  	v2 =	vld [tilespmem:s14+$0x10];
	_ =	sdelay $0x4  }
0x83: {  	v2 =	vand.u32 $0x3FFF, v2  }
0x84: {  	[tilespmem:$0x2810] =	vst v2  }
0x85: {  	v2 =	vld [tilespmem:s14+$0x20];
	_ =	sdelay $0x4  }
0x86: {  	v2 =	vand.u32 $0x3FFF, v2  }
0x87: {  	[tilespmem:$0x2820] =	vst v2  }
0x88: {  	v2 =	vld [tilespmem:s14+$0x30];
	_ =	sdelay $0x4  }
0x89: {  	v2 =	vand.u32 $0x3FFF, v2  }
0x8a: {  	[tilespmem:$0x2830] =	vst v2  }
0x8b: {  	v2 =	vld [tilespmem:s14+$0x40];
	_ =	sdelay $0x4  }
0x8c: {  	v2 =	vand.u32 $0x3FFF, v2  }
0x8d: {  	[tilespmem:$0x2840] =	vst v2  }
0x8e: {  	v2 =	vld [tilespmem:s14+$0x50];
	_ =	sdelay $0x4  }
0x8f: {  	v2 =	vand.u32 $0x3FFF, v2  }
0x90: {  	[tilespmem:$0x2850] =	vst v2  }
0x91: {  	v2 =	vld [tilespmem:s14+$0x60];
	_ =	sdelay $0x4  }
0x92: {  	v2 =	vand.u32 $0x3FFF, v2  }
0x93: {  	[tilespmem:$0x2860] =	vst v2  }
0x94: {  	v2 =	vld [tilespmem:s14+$0x70];
	_ =	sdelay $0x4  }
0x95: {  	v2 =	vand.u32 $0x3FFF, v2  }
0x96: {  	[tilespmem:$0x2870] =	vst v2  }
0x97: {  	[spmem:s2] =	stream.indirect.scatter.add.f32 [tilespmem:s12], [sflag:$0x1], $0x1, s11, s10, $0xb8;
	[tilespmem:$0x2E00] =	vst v63  }
0x98: {  	_ =	swait.ge [sflag:s8], $0x80  }
0x99: {  	[sflag:s8] =	ssyncset.done $0x0  }
0x9a: {  	[sflag:s8] =	ssyncadd.s32 $0xFFFFFF80  }
0x9b: {  	[bflag:$0x0] =	sbarrier.arrive $0xFFFF  }
0x9c: {  	[tilespmem:s9], [sflag:$0x1] =	stream.linear.gather [spmem:s5], $0x280, $0x38;
	[tilespmem:$0x2E00] =	vst v63  }
0x9d: {  	s13 =	sadd.s32 $0x1, s13;
	_ =	swait.ge [sflag:s8], $0x280  }
0x9e: {  	p0 =	sne.s32 s13, s7;
	[sflag:s8] =	ssyncset.done $0x0  }
.Ltmp1:
0x9f: {  	[sflag:s8] =	ssyncadd.s32 $0xFFFFFD80;
	(pc) =	sbr.rel @p0 .LBB2_1-.Ltmp1, $4  }
0xa0: {  	[hbm4b:s6+s3] =	stream.linear.scatter [tilespmem:s9], [sflag:$0x1], $0x280, $0x38;
	[tilespmem:$0x2E00] =	vst v63  }
0xa1: {  	_ =	swait.ge [sflag:s8], $0x280  }
0xa2: {  	[sflag:s8] =	ssyncset.done $0x0  }
0xa3: {  	[sflag:s8] =	ssyncadd.s32 $0xFFFFFD80  }
0xa4: {  	_ =	sfence.sel $0x180000  }
0xa5: {  	[bflag:$0x0] =	sbarrier.arrive $0xFFFF  }
0xa6: {  	p0 =	sne.s32 s1, $0x0;
	_ =	strace $0x90000047  }
0xa7: {  	s0 =	sadd.s32 @!p0 $0x100000, s0;
	[bflag:$0x2] =	sbarrier.arrive $0xFFFF  }
0xa8: {  	[sflag:s0] =	ssyncadd.tile.s32 @!p0 $0x1;
	_ =	shalt  }
.Lfunc_end2:
_tile_overlayer_lowered:
.L_overlay_start_2:
0xa9: {  	(tag) =	ssettag $0x2  }
0xaa: {  	s0 =	rddreg [dreg:$0x0];
	s2 =	stileid.u32  }
0xab: {  	s1 =	rddreg [dreg:$0x1];
	p0 =	sne.s32 s2, $0x0  }
0xac: {  	s3 =	rddreg [dreg:$0x2];
	[bflag:$0x3] =	sbarrier.arrive $0xFFFF;
	s2 =	simm.s32 @!p0 $0x1C01  }
0xad: {  	[timem:s3], [sflag:s2] =	dma.local @!p0 [hbm:s0], s1  }
0xae: {  	s0 =	simm.s32 @!p0 $0x1  }
0xaf: {  	_ =	swait.ge @!p0 [sflag:s0], s1  }
0xb0: {  	s1 =	ssub.s32 @!p0 $0x0, s1;
	[sflag:s0] =	ssyncset.done @!p0 $0x0  }
0xb1: {  	[sflag:s0] =	ssyncadd.s32 @!p0 s1  }
0xb2: {  	[bflag:$0x3] =	sbarrier.arrive $0xFFFF  }
0xb3: {  	_ =	shalt  }

// kernel: kernel.9.cloned.1.call-start
scs
__scs_entry_jumppad:
0x0: {  	(pc) =	sbr.rel $0x88, $3  }
0x1: {  	(tag) =	ssettag $0x0;
	lr =	simm.s32 $0x1  }
0x2: {  	[smem:$0x3F9D] =	sst lr;
	_ =	strace $0xD0000000  }
0x3: {  	_ = 	snop  }
0x4: {  	_ = 	snop  }
0x5: {  	_ = 	snop  }
0x6: {  	_ = 	snop  }
0x7: {  	_ = 	snop  }
__scs_overlays_trampoline_lowered:
0x8: {  	[smem:$0x3FAC] =	sst s0  }
0x9: {  	[smem:$0x3FAD] =	sst s1  }
0xa: {  	[smem:$0x3FAE] =	sst s2  }
0xb: {  	[smem:$0x3FAF] =	sst s3  }
0xc: {  	[smem:$0x3FB0] =	sst s4  }
0xd: {  	[smem:$0x3FB1] =	sst s5  }
0xe: {  	[smem:$0x3FB2] =	sst s6  }
0xf: {  	[smem:$0x3FB3] =	sst s7  }
0x10: {  	[smem:$0x3FB4] =	sst s8  }
0x11: {  	[smem:$0x3FB5] =	sst s9;
	s0 =	simm.s32 @!p0 $0x0  }
0x12: {  	s1 =	sld [smem:$0x3F9B];
	s0 =	simm.s32 @p0 $0x1  }
0x13: {  	[smem:$0x3FB6] =	sst s0;
	s0 =	simm.s32 @!p1 $0x0  }
0x14: {  	s2 =	sld [smem:$0x3F9A];
	s0 =	simm.s32 @p1 $0x1  }
0x15: {  	[smem:$0x3FB7] =	sst s0;
	s0 =	simm.s32 @!p2 $0x0  }
0x16: {  	s3 =	sld [smem:$0x3FDB];
	s0 =	simm.s32 @p2 $0x1  }
0x17: {  	s4 =	simm.s32 $0x1BF5;
	[smem:$0x3FB9] =	sst s0  }
0x18: {  	s0 =	sld [smem:$0x3F9C];
	_ =	swait.ge [sflag:s4], $0x0  }
0x19: {  	s7 =	sld [smem:$0x3F9D]  }
0x1a: {  	s8 =	sadd.s32 $0xFFFFE003, lr  }
0x1b: {  	s9 =	sadd.s32 $0xFFFFFEF7, lr;
	s5 =	simm.s32 $0xFFFFFFFF;
	p2 =	slt.u32 s8, $0xFFFFF086  }
0x1c: {  	p1 =	slt.u32 s9, $0xF7A;
	s5 =	simm.s32 @!p2 $0x0  }
0x1d: {  	s5 =	simm.s32 @p1 $0x1;
	p0 =	seq.s32 s7, s2  }
0x1e: {  	s7 =	smul.u32 @!p0 $0xF7A, s2;
	p2 =	seq.s32 @!p0 s5, $0x0  }
0x1f: {  	s9 =	smul.u32 $0xF7A, s1;
	s8 =	simm.s32 @!p0 $0x1BF5;
	p2 =	por !p2, p0  }
0x20: {  	[sflag:s8] =	ssyncset.s32 @!p0 $0xFFFFF086;
	s6 =	sadd.s32 @!p0 s3, s7;
	s7 =	simm.s32 @!p0 $0x108  }
0x21: {  	s3 =	sadd.s32 s3, s9;
	s6 =	sadd.s32 @!p0 $0x88, s6;
	s7 =	simm.s32 @p2 $0x1082  }
0x22: {  	[simem:s7], [sflag:s8] =	dma.local @!p0 [hbm:s6], $0xF7A  }
0x23: {  	s9 =	sor.u32 $0xD0000000, s2;
	s6 =	simm.s32 $0x108;
	_ =	swait.ge @!p0 [sflag:s8], $0x0  }
0x24: {  	s3 =	sadd.s32 $0x88, s3;
	s6 =	simm.s32 @!p1 $0x1082;
	[sflag:s4] =	ssyncset.s32 $0xFFFFF086  }
0x25: {  	[simem:s6], [sflag:s4] =	dma.local [hbm:s3], $0xF7A  }
0x26: {  	[smem:$0x3F9D] =	sst s1;
	(tag) =	ssettag s2;
	_ =	strace s9  }
0x27: {  	s1 =	sld [smem:$0x3FAD]  }
0x28: {  	s2 =	sld [smem:$0x3FAE]  }
0x29: {  	s4 =	sld [smem:$0x3FB0]  }
0x2a: {  	p0 =	seq.s32 s5, $0x0;
	s5 =	sld [smem:$0x3FB1]  }
0x2b: {  	s6 =	sld [smem:$0x3FB2]  }
0x2c: {  	s7 =	sld [smem:$0x3FB3]  }
0x2d: {  	s3 =	simm.s32 $0x108;
	s8 =	sld [smem:$0x3FB4]  }
0x2e: {  	s3 =	simm.s32 @!p0 $0x1082;
	s9 =	sld [smem:$0x3FB5]  }
0x2f: {  	lr =	sadd.s32 s0, s3;
	s0 =	sld [smem:$0x3FAC]  }
0x30: {  	s3 =	sld [smem:$0x3FAF]  }
0x31: {  	[smem:$0x3FB8] =	sst s10  }
0x32: {  	s10 =	sld [smem:$0x3FB6];
	_ =	sdelay $0x3  }
0x33: {  	p0 =	seq.s32 s10, $0x1;
	s10 =	sld [smem:$0x3FB8];
	_ =	sdelay $0x3  }
0x34: {  	[smem:$0x3FB8] =	sst s10  }
0x35: {  	s10 =	sld [smem:$0x3FB7];
	_ =	sdelay $0x3  }
0x36: {  	p1 =	seq.s32 s10, $0x1;
	s10 =	sld [smem:$0x3FB8];
	_ =	sdelay $0x3  }
0x37: {  	[smem:$0x3FB8] =	sst s10  }
0x38: {  	s10 =	sld [smem:$0x3FB9]  }
0x39: {  	_ = 	snop;
	(pc) =	sbr.ind lr, $3  }
0x3a: {  	_ = 	snop  }
0x3b: {  	_ = 	snop  }
0x3c: {  	p2 =	seq.s32 s10, $0x1;
	s10 =	sld [smem:$0x3FB8]  }
0x3d: {  	_ =	shalt  }
0x3e: {  	_ =	shalt  }
0x3f: {  	_ =	shalt  }
0x40: {  	_ =	shalt  }
0x41: {  	_ =	shalt  }
0x42: {  	_ =	shalt  }
0x43: {  	_ =	shalt  }
0x44: {  	_ =	shalt  }
0x45: {  	_ =	shalt  }
0x46: {  	_ =	shalt  }
0x47: {  	_ =	shalt  }
0x48: {  	_ =	shalt  }
0x49: {  	_ =	shalt  }
0x4a: {  	_ =	shalt  }
0x4b: {  	_ =	shalt  }
0x4c: {  	_ =	shalt  }
0x4d: {  	_ =	shalt  }
0x4e: {  	_ =	shalt  }
0x4f: {  	_ =	shalt  }
0x50: {  	_ =	shalt  }
0x51: {  	_ =	shalt  }
0x52: {  	_ =	shalt  }
0x53: {  	_ =	shalt  }
0x54: {  	_ =	shalt  }
0x55: {  	_ =	shalt  }
0x56: {  	_ =	shalt  }
0x57: {  	_ =	shalt  }
0x58: {  	_ =	shalt  }
0x59: {  	_ =	shalt  }
0x5a: {  	_ =	shalt  }
0x5b: {  	_ =	shalt  }
0x5c: {  	_ =	shalt  }
0x5d: {  	_ =	shalt  }
0x5e: {  	_ =	shalt  }
0x5f: {  	_ =	shalt  }
0x60: {  	_ =	shalt  }
0x61: {  	_ =	shalt  }
0x62: {  	_ =	shalt  }
0x63: {  	_ =	shalt  }
0x64: {  	_ =	shalt  }
0x65: {  	_ =	shalt  }
0x66: {  	_ =	shalt  }
0x67: {  	_ =	shalt  }
0x68: {  	_ =	shalt  }
0x69: {  	_ =	shalt  }
0x6a: {  	_ =	shalt  }
0x6b: {  	_ =	shalt  }
0x6c: {  	_ =	shalt  }
0x6d: {  	_ =	shalt  }
0x6e: {  	_ =	shalt  }
0x6f: {  	_ =	shalt  }
0x70: {  	_ =	shalt  }
0x71: {  	_ =	shalt  }
0x72: {  	_ =	shalt  }
0x73: {  	_ =	shalt  }
0x74: {  	_ =	shalt  }
0x75: {  	_ =	shalt  }
0x76: {  	_ =	shalt  }
0x77: {  	_ =	shalt  }
0x78: {  	_ =	shalt  }
0x79: {  	_ =	shalt  }
0x7a: {  	_ =	shalt  }
0x7b: {  	_ =	shalt  }
0x7c: {  	_ =	shalt  }
0x7d: {  	_ =	shalt  }
0x7e: {  	_ =	shalt  }
0x7f: {  	_ =	shalt  }
0x80: {  	_ =	shalt  }
0x81: {  	_ =	shalt  }
0x82: {  	_ =	shalt  }
0x83: {  	_ =	shalt  }
0x84: {  	_ =	shalt  }
0x85: {  	_ =	shalt  }
0x86: {  	_ =	shalt  }
0x87: {  	_ =	shalt  }
.Lfunc_end0:
.L_simem_size_0:
called_computation.1_lowered:
.L_overlay_start_0:
0x88: {  	s2 =	sld [smem:$0x3FD9]  }
0x89: {  	s3 =	sld [smem:$0x3FFE];
	_ =	sdelay $0x1  }
0x8a: {  	s1 =	srdreg.scid  }
0x8b: {  	s0 =	sand.u32 $0x1, s1  }
0x8c: {  	s17 =	sshll.u32 s0, $0xA;
	s2 =	sadd.s32 s3, s2  }
0x8d: {  	s2 =	sadd.s32 s2, s17  }
0x8e: {  	[smem:$0x3FC4] =	sst s2  }
0x8f: {  	_ = 	snop  }
0x90: {  	s2 =	sld [smem:$0x3FD0];
	(tm) =	ssettm $0x1  }
0x91: {  	s18 =	sld [smem:$0x3FFB];
	_ =	sdelay $0x3  }
0x92: {  	_ =	strace s18  }
0x93: {  	s3 =	sld [smem:$0x3FFC];
	_ =	sdelay $0x3  }
0x94: {  	_ =	strace s3  }
0x95: {  	s3 =	sld [smem:$0x3FFD];
	_ =	sdelay $0x3  }
0x96: {  	_ =	strace s3  }
0x97: {  	_ =	strace $0x8FFFFFFF  }
0x98: {  	s19 =	sld [smem:$0x3FDB];
	_ =	sdelay $0x1  }
0x99: {  	s4 =	simm.s32 $_scs_section_size  }
0x9a: {  	s5 =	simm.s32 $_size__tile_overlayer_lowered;
	s6 =	simm.s32 $_tile_overlayer_lowered  }
0x9b: {  	s22 =	simm.s32 $0x1BFF;
	s21 =	sshll.u32 s6, $0x1;
	s3 =	sadd.s32 s4, s19  }
0x9c: {  	s7 =	simm.s32 $0x0;
	s20 =	sshll.u32 s5, $0x1;
	s5 =	sadd.s32 s21, s3  }
0x9d: {  	[timem:s7], [sflag:s22] =	dma.local [hbm:s5], s20  }
0x9e: {  	_ =	swait.ge [sflag:s22], s20  }
0x9f: {  	s4 =	ssub.s32 $0x0, s20;
	[sflag:s22] =	ssyncset.done $0x0  }
0xa0: {  	[sflag:s22] =	ssyncadd.s32 s4;
	_ =	sdelay $0x1  }
0xa1: {  	s23 =	simm.s32 $0x1B8B  }
0xa2: {  	_ =	swait.ge [sflag:s23], $0x1  }
0xa3: {  	[sflag:s23] =	ssyncset.done $0x0  }
0xa4: {  	s25 =	simm.s32 $0x1B8E;
	s24 =	sld [smem:$0x3FFE];
	[sflag:s23] =	ssyncadd.s32 $0xFFFFFFFF  }
0xa5: {  	s26 =	simm.s32 $execute0_lowered;
	[smem:$0x3FD2] =	sst s25  }
0xa6: {  	s5 =	sshll.u32 s26, $0x1;
	_ =	strace $0x80000049;
	[dreg:$0x1] =	wrdreg $0xFFFFFFFF  }
0xa7: {  	s28 =	simm.s32 $_size_execute0_lowered;
	s3 =	sadd.s32 s3, s5;
	[dreg:$0x0] =	wrdreg $0x0  }
0xa8: {  	s5 =	sshll.u32 s28, $0x1;
	[dreg:$0x2] =	wrdreg s3  }
0xa9: {  	[dreg:$0x3] =	wrdreg s5  }
0xaa: {  	[dreg:$0x4] =	wrdreg $0xC0  }
0xab: {  	_ =	task [dreg:s7], $0x5FFFF  }
0xac: {  	[dreg:$0x1] =	wrdreg $0xFFFFFFFF  }
0xad: {  	[dreg:$0x0] =	wrdreg $0x60  }
0xae: {  	[dreg:$0x2] =	wrdreg s24  }
0xaf: {  	[dreg:$0x3] =	wrdreg s2  }
0xb0: {  	[dreg:$0x4] =	wrdreg $0xAA000  }
0xb1: {  	[dreg:$0x5] =	wrdreg $0x9  }
0xb2: {  	_ =	task.clear_ibuf [dreg:s7], $0x6FFFF;
	_ =	strace $0x90000049  }
0xb3: {  	s29 =	simm.s32 $0x9;
	_ =	strace $0x8000004B  }
0xb4: {  	_ =	swait.ge [sflag:s29], $0x1  }
0xb5: {  	[sflag:s29] =	ssyncadd.s32 $0xFFFFFFFF  }
0xb6: {  	_ =	strace $0x9000004B  }
0xb7: {  	_ =	sfence  }
0xb8: {  	s30 =	sld [smem:$0x0];
	_ =	sdelay $0x2  }
0xb9: {  	s31 =	sshll.u32 s1, $0xD;
	s1 =	sshrl.u32 s1, $0x2  }
0xba: {  	s3 =	sand.u32 $0x4000, s31;
	s1 =	sadd.s32 s1, s30  }
0xbb: {  	s0 =	sor.u32 s3, s0;
	s1 =	sshll.u32 s1, $0x11  }
0xbc: {  	s0 =	sor.u32 s1, s0  }
0xbd: {  	s0 =	sadd.s32 $0x8F2B, s0  }
0xbe: {  	[sflag:s0] =	ssyncadd.remote.s32 $0x1  }
0xbf: {  	_ =	sfence.sel $0xFFFF  }
0xc0: {  	[dreg:$0x0] =	wrdreg $0xFFFFFFFF;
	(pc) =	sbr.abs _section_cstart, $3  }
0xc1: {  	[dreg:$0x1] =	wrdreg $0xFFFFFFFF  }
0xc2: {  	_ =	task.clear_ibuf [dreg:s7], $0x2FFFF;
	_ =	strace $0x9FFFFFFF  }
0xc3: {  	(tm) =	ssettm $0x7FFFFFFF  }
tec
execute0_lowered:
.L_overlay_start_1:
0x0: {  	(tag) =	ssettag $0x1  }
0x1: {  	s1 =	rddreg [dreg:$0x0];
	s2 =	srdreg.scid  }
0x2: {  	s0 =	stileid.u32;
	s5 =	rddreg [dreg:$0x1];
	s20 =	simm.s32 $0x2800  }
0x3: {  	s21 =	simm.s32 $0x2880;
	s28 =	simm.s32 $0x3;
	s29 =	simm.s32 $0x4  }
0x4: {  	s30 =	simm.s32 $0x0;
	s7 =	sand.u32 $0x1, s2;
	s10 =	smul.u32 $0x280, s0  }
0x5: {  	s3 =	sshll.u32 s0, $0x1;
	s2 =	rddreg [dreg:$0x2];
	s11 =	smul.u32 $0x50000, s0  }
0x6: {  	s4 =	sor.u32 s7, s3;
	s3 =	simm.s32 $0x0;
	s15 =	smul.u32 $0x2800, s7  }
0x7: {  	s8 =	ssub.s32 $0x2, s7;
	s6 =	smul.u32 $0x500, s4;
	[smem:$0x7FF] =	sst s3  }
0x8: {  	s9 =	sshrl.u32 s8, $0x1;
	s4 =	sadd.s32 $0x1600, s1;
	s1 =	sadd.s32 $0x51600, s1  }
0x9: {  	s22 =	sshrl.u32 s11, $0x2;
	s23 =	sadd.s32 $0x80, s10;
	s13 =	sadd.s32 $0x100, s10  }
0xa: {  	s14 =	sadd.s32 $0x180, s10;
	s17 =	sadd.s32 $0x200, s10;
	_ =	strace $0x8000004A  }
0xb: {  	s16 =	ssub.s32 s8, s9;
	s24 =	sshll.u32 s23, $0x7;
	s25 =	sshll.u32 s13, $0x7  }
0xc: {  	s26 =	sshll.u32 s14, $0x7;
	s10 =	sadd.s32 s10, s15;
	s12 =	sshll.u32 s17, $0x7  }
0xd: {  	s19 =	sadd.s32 s15, s23;
	s13 =	sadd.s32 s15, s13;
	s14 =	sadd.s32 s15, s14  }
0xe: {  	s15 =	sadd.s32 s15, s17;
	s17 =	simm.s32 $0x5;
	s23 =	simm.s32 $0x1  }
0xf: {  	s5 =	sadd.s32 s5, s6;
	s6 =	sadd.s32 s22, s2;
	s7 =	sadd.s32 s24, s2  }
0x10: {  	s8 =	sadd.s32 s25, s2;
	s9 =	sadd.s32 s26, s2;
	s18 =	sshll.u32 s10, $0x4  }
0x11: {  	s10 =	sadd.s32 s12, s2;
	s31 =	sshll.u32 s19, $0x4;
	s13 =	sshll.u32 s13, $0x4  }
.Ltmp0:
0x12: {  	s14 =	sshll.u32 s14, $0x4;
	s15 =	sshll.u32 s15, $0x4;
	(pc) =	sbr.rel .LBB2_1-.Ltmp0, $4  }
0x13: {  	s16 =	smax.u32 s16, $0x1;
	s19 =	simm.s32 $0x80;
	s22 =	simm.s32 $0x6A00  }
0x14: {  	s24 =	simm.s32 $0x2900;
	s25 =	simm.s32 $0x2;
	s26 =	simm.s32 $0x2980  }
0x15: {  	s11 =	sadd.s32 s1, s18;
	s12 =	sadd.s32 s1, s31;
	s13 =	sadd.s32 s1, s13  }
0x16: {  	v0 =	vimm.f32 $0.0e+00;
	s14 =	sadd.s32 s1, s14;
	s15 =	sadd.s32 s1, s15;
	s18 =	simm.s32 $0x2A00  }
.LBB2_6:
0x17: {  	_ =	swait.ge [sflag:s28], $0x4000  }
0x18: {  	[sflag:s28] =	ssyncset.done $0x0  }
0x19: {  	[sflag:s28] =	ssyncadd.s32 $0xFFFFC000  }
0x1a: {  	_ =	swait.ge [sflag:s29], $0x4000  }
0x1b: {  	[sflag:s29] =	ssyncset.done $0x0  }
0x1c: {  	[sflag:s29] =	ssyncadd.s32 $0xFFFFC000  }
0x1d: {  	[bflag:$0x0] =	sbarrier.arrive $0xFFFF  }
0x1e: {  	[tilespmem:s18], [sflag:$0x5] =	stream.linear.gather [spmem:s6], $0x4000, $0x38;
	[tilespmem:$0x1EA00] =	vst v63  }
0x1f: {  	_ =	swait.ge [sflag:s17], $0x4000  }
0x20: {  	[sflag:s17] =	ssyncset.done $0x0  }
0x21: {  	[sflag:s17] =	ssyncadd.s32 $0xFFFFC000  }
0x22: {  	[hbm4b:s11+s3] =	stream.linear.scatter [tilespmem:s18], [sflag:$0x5], $0x4000, $0x38;
	[tilespmem:$0x1EA00] =	vst v63  }
0x23: {  	_ =	swait.ge [sflag:s17], $0x4000  }
0x24: {  	[sflag:s17] =	ssyncset.done $0x0  }
0x25: {  	[sflag:s17] =	ssyncadd.s32 $0xFFFFC000  }
0x26: {  	[tilespmem:s18], [sflag:$0x5] =	stream.linear.gather [spmem:s7], $0x4000, $0x38;
	[tilespmem:$0x1EA00] =	vst v63  }
0x27: {  	_ =	swait.ge [sflag:s17], $0x4000  }
0x28: {  	[sflag:s17] =	ssyncset.done $0x0  }
0x29: {  	[sflag:s17] =	ssyncadd.s32 $0xFFFFC000  }
0x2a: {  	[hbm4b:s12+s3] =	stream.linear.scatter [tilespmem:s18], [sflag:$0x5], $0x4000, $0x38;
	[tilespmem:$0x1EA00] =	vst v63  }
0x2b: {  	_ =	swait.ge [sflag:s17], $0x4000  }
0x2c: {  	[sflag:s17] =	ssyncset.done $0x0  }
0x2d: {  	[sflag:s17] =	ssyncadd.s32 $0xFFFFC000  }
0x2e: {  	[tilespmem:s18], [sflag:$0x5] =	stream.linear.gather [spmem:s8], $0x4000, $0x38;
	[tilespmem:$0x1EA00] =	vst v63  }
0x2f: {  	_ =	swait.ge [sflag:s17], $0x4000  }
0x30: {  	[sflag:s17] =	ssyncset.done $0x0  }
0x31: {  	[sflag:s17] =	ssyncadd.s32 $0xFFFFC000  }
0x32: {  	[hbm4b:s13+s3] =	stream.linear.scatter [tilespmem:s18], [sflag:$0x5], $0x4000, $0x38;
	[tilespmem:$0x1EA00] =	vst v63  }
0x33: {  	_ =	swait.ge [sflag:s17], $0x4000  }
0x34: {  	[sflag:s17] =	ssyncset.done $0x0  }
0x35: {  	[sflag:s17] =	ssyncadd.s32 $0xFFFFC000  }
0x36: {  	[tilespmem:s18], [sflag:$0x5] =	stream.linear.gather [spmem:s9], $0x4000, $0x38;
	[tilespmem:$0x1EA00] =	vst v63  }
0x37: {  	_ =	swait.ge [sflag:s17], $0x4000  }
0x38: {  	[sflag:s17] =	ssyncset.done $0x0  }
0x39: {  	[sflag:s17] =	ssyncadd.s32 $0xFFFFC000  }
0x3a: {  	[hbm4b:s14+s3] =	stream.linear.scatter [tilespmem:s18], [sflag:$0x5], $0x4000, $0x38;
	[tilespmem:$0x1EA00] =	vst v63  }
0x3b: {  	_ =	swait.ge [sflag:s17], $0x4000  }
0x3c: {  	[sflag:s17] =	ssyncset.done $0x0  }
0x3d: {  	[sflag:s17] =	ssyncadd.s32 $0xFFFFC000  }
0x3e: {  	[tilespmem:s18], [sflag:$0x5] =	stream.linear.gather [spmem:s10], $0x4000, $0x38;
	[tilespmem:$0x1EA00] =	vst v63  }
0x3f: {  	s30 =	sadd.s32 $0x1, s30;
	_ =	swait.ge [sflag:s17], $0x4000  }
0x40: {  	p0 =	sne.s32 s30, s16;
	[sflag:s17] =	ssyncset.done $0x0  }
.Ltmp1:
0x41: {  	[sflag:s17] =	ssyncadd.s32 $0xFFFFC000;
	(pc) =	sbr.rel @!p0 .LBB2_7-.Ltmp1, $4  }
0x42: {  	[hbm4b:s15+s3] =	stream.linear.scatter [tilespmem:s18], [sflag:$0x5], $0x4000, $0x38;
	[tilespmem:$0x1EA00] =	vst v63  }
0x43: {  	_ =	swait.ge [sflag:s17], $0x4000  }
0x44: {  	[sflag:s17] =	ssyncset.done $0x0  }
0x45: {  	[sflag:s17] =	ssyncadd.s32 $0xFFFFC000  }
.LBB2_1:
0x46: {  	[tilespmem:s3], [sflag:$0x5] =	stream.linear.gather [hbm4b:s5+s3], $0x2800, $0x38;
	[tilespmem:$0x1EA00] =	vst v63  }
0x47: {  	_ =	swait.ge [sflag:s17], $0x2800  }
0x48: {  	[sflag:s17] =	ssyncset.done $0x0  }
0x49: {  	s1 =	simm.s32 $0x0;
	s31 =	simm.s32 $0x200;
	[sflag:s17] =	ssyncadd.s32 $0xFFFFD800  }
.LBB2_2:
0x4a: {  	p0 =	sne.s32 s31, $0xFE00;
	[tilespmem:s1+$0x2A70] =	vst v0  }
0x4b: {  	[tilespmem:s1+$0x2A00] =	vst v0  }
0x4c: {  	[tilespmem:s1+$0x2A10] =	vst v0  }
.Ltmp2:
0x4d: {  	[tilespmem:s1+$0x2A20] =	vst v0;
	(pc) =	sbr.rel @p0 .LBB2_2-.Ltmp2, $4  }
0x4e: {  	[tilespmem:s1+$0x2A30] =	vst v0  }
0x4f: {  	[tilespmem:s1+$0x2A40] =	vst v0  }
0x50: {  	[tilespmem:s1+$0x2A50] =	vst v0  }
0x51: {  	[tilespmem:s1+$0x2A60] =	vst v0;
	s1 =	sshra.s32 s31, $0x2;
	s31 =	sadd.s32 $0x200, s31  }
0x52: {  	[tilespmem:s1+$0x2A70] =	vst v0  }
0x53: {  	[tilespmem:s1+$0x2A00] =	vst v0  }
0x54: {  	[tilespmem:s1+$0x2A10] =	vst v0  }
0x55: {  	[tilespmem:s1+$0x2A20] =	vst v0  }
0x56: {  	[tilespmem:s1+$0x2A30] =	vst v0  }
0x57: {  	[tilespmem:s1+$0x2A40] =	vst v0  }
0x58: {  	[tilespmem:s1+$0x2A50] =	vst v0  }
0x59: {  	[tilespmem:s1+$0x2A60] =	vst v0  }
0x5a: {  	[spmem:s6] =	stream.linear.scatter [tilespmem:s18], [sflag:$0x5], $0x4000, $0x38;
	[tilespmem:$0x1EA00] =	vst v63  }
0x5b: {  	_ =	swait.ge [sflag:s17], $0x4000  }
0x5c: {  	[sflag:s17] =	ssyncset.done $0x0  }
0x5d: {  	[sflag:s17] =	ssyncadd.s32 $0xFFFFC000  }
0x5e: {  	[spmem:s7] =	stream.linear.scatter [tilespmem:s18], [sflag:$0x5], $0x4000, $0x38;
	[tilespmem:$0x1EA00] =	vst v63  }
0x5f: {  	_ =	swait.ge [sflag:s17], $0x4000  }
0x60: {  	[sflag:s17] =	ssyncset.done $0x0  }
0x61: {  	[sflag:s17] =	ssyncadd.s32 $0xFFFFC000  }
0x62: {  	[spmem:s8] =	stream.linear.scatter [tilespmem:s18], [sflag:$0x5], $0x4000, $0x38;
	[tilespmem:$0x1EA00] =	vst v63  }
0x63: {  	_ =	swait.ge [sflag:s17], $0x4000  }
0x64: {  	[sflag:s17] =	ssyncset.done $0x0  }
0x65: {  	[sflag:s17] =	ssyncadd.s32 $0xFFFFC000  }
0x66: {  	[spmem:s9] =	stream.linear.scatter [tilespmem:s18], [sflag:$0x5], $0x4000, $0x38;
	[tilespmem:$0x1EA00] =	vst v63  }
0x67: {  	_ =	swait.ge [sflag:s17], $0x4000  }
0x68: {  	[sflag:s17] =	ssyncset.done $0x0  }
0x69: {  	[sflag:s17] =	ssyncadd.s32 $0xFFFFC000  }
0x6a: {  	[spmem:s10] =	stream.linear.scatter [tilespmem:s18], [sflag:$0x5], $0x4000, $0x38;
	[tilespmem:$0x1EA00] =	vst v63  }
0x6b: {  	_ =	swait.ge [sflag:s17], $0x4000  }
0x6c: {  	[sflag:s17] =	ssyncset.done $0x0  }
0x6d: {  	[sflag:s17] =	ssyncadd.s32 $0xFFFFC000  }
0x6e: {  	v1 =	vld [tilespmem:$0x0]  }
0x6f: {  	v2 =	vld [tilespmem:$0x10]  }
0x70: {  	v3 =	vld [tilespmem:$0x20]  }
0x71: {  	v4 =	vld [tilespmem:$0x30]  }
0x72: {  	v5 =	vld [tilespmem:$0x40]  }
0x73: {  	v6 =	vld [tilespmem:$0x50];
	v1 =	vshra.s32 v1, $0xE  }
0x74: {  	[tilespmem:$0x2800] =	vst v1;
	v1 =	vshra.s32 v2, $0xE;
	v2 =	vld [tilespmem:$0x60]  }
0x75: {  	[tilespmem:$0x2810] =	vst v1;
	v1 =	vshra.s32 v3, $0xE;
	v3 =	vld [tilespmem:$0x70]  }
0x76: {  	[tilespmem:$0x2820] =	vst v1;
	v1 =	vshra.s32 v4, $0xE  }
0x77: {  	[tilespmem:$0x2830] =	vst v1;
	v1 =	vshra.s32 v5, $0xE  }
0x78: {  	[tilespmem:$0x2840] =	vst v1;
	v1 =	vshra.s32 v6, $0xE  }
0x79: {  	[tilespmem:$0x2850] =	vst v1;
	v1 =	vshra.s32 v2, $0xE  }
0x7a: {  	[tilespmem:$0x2860] =	vst v1;
	v1 =	vshra.s32 v3, $0xE  }
0x7b: {  	[tilespmem:$0x2870] =	vst v1  }
0x7c: {  	[tilespmem:s18], [sflag:$0x1] =	stream.indirect.gather [hbm4b:s4+s19], $0x80, s20, s19, $0xb8;
	[tilespmem:$0x1EA00] =	vst v63  }
0x7d: {  	v1 =	vld [tilespmem:$0x80]  }
0x7e: {  	v2 =	vld [tilespmem:$0x90]  }
0x7f: {  	v3 =	vld [tilespmem:$0xA0]  }
0x80: {  	v61 =	vld [tilespmem:$0xB0]  }
0x81: {  	v62 =	vld [tilespmem:$0xC0]  }
0x82: {  	v63 =	vld [tilespmem:$0xD0];
	v1 =	vshra.s32 v1, $0xE  }
0x83: {  	[tilespmem:$0x2880] =	vst v1;
	v1 =	vshra.s32 v2, $0xE;
	v2 =	vld [tilespmem:$0xE0]  }
0x84: {  	[tilespmem:$0x2890] =	vst v1;
	v1 =	vshra.s32 v3, $0xE;
	v3 =	vld [tilespmem:$0xF0]  }
0x85: {  	[tilespmem:$0x28A0] =	vst v1;
	v1 =	vshra.s32 v61, $0xE  }
0x86: {  	[tilespmem:$0x28B0] =	vst v1;
	v1 =	vshra.s32 v62, $0xE  }
0x87: {  	[tilespmem:$0x28C0] =	vst v1;
	v1 =	vshra.s32 v63, $0xE  }
0x88: {  	[tilespmem:$0x28D0] =	vst v1;
	v1 =	vshra.s32 v2, $0xE  }
0x89: {  	[tilespmem:$0x28E0] =	vst v1;
	v1 =	vshra.s32 v3, $0xE  }
0x8a: {  	[tilespmem:$0x28F0] =	vst v1  }
0x8b: {  	[tilespmem:s22], [sflag:$0x2] =	stream.indirect.gather [hbm4b:s4+s19], $0x80, s21, s19, $0xb8;
	[tilespmem:$0x1EA00] =	vst v63  }
0x8c: {  	s31 =	simm.s32 $0x0;
	[bflag:$0x0] =	sbarrier.arrive $0xFFFF  }
.LBB2_4:
0x8d: {  	_ =	swait.ge [sflag:s23], $0x4000  }
0x8e: {  	[sflag:s23] =	ssyncset.done $0x0  }
0x8f: {  	s1 =	sshra.s32 s31, $0x2;
	[sflag:s23] =	ssyncadd.s32 $0xFFFFC000  }
0x90: {  	v1 =	vld [tilespmem:s1+$0x0];
	_ =	sdelay $0x4  }
0x91: {  	v1 =	vand.u32 $0x3FFF, v1  }
0x92: {  	[tilespmem:$0x2900] =	vst v1  }
0x93: {  	v1 =	vld [tilespmem:s1+$0x10];
	_ =	sdelay $0x4  }
0x94: {  	v1 =	vand.u32 $0x3FFF, v1  }
0x95: {  	[tilespmem:$0x2910] =	vst v1  }
0x96: {  	v1 =	vld [tilespmem:s1+$0x20];
	_ =	sdelay $0x4  }
0x97: {  	v1 =	vand.u32 $0x3FFF, v1  }
0x98: {  	[tilespmem:$0x2920] =	vst v1  }
0x99: {  	v1 =	vld [tilespmem:s1+$0x30];
	_ =	sdelay $0x4  }
0x9a: {  	v1 =	vand.u32 $0x3FFF, v1  }
0x9b: {  	[tilespmem:$0x2930] =	vst v1  }
0x9c: {  	v1 =	vld [tilespmem:s1+$0x40];
	_ =	sdelay $0x4  }
0x9d: {  	v1 =	vand.u32 $0x3FFF, v1  }
0x9e: {  	[tilespmem:$0x2940] =	vst v1  }
0x9f: {  	v1 =	vld [tilespmem:s1+$0x50];
	_ =	sdelay $0x4  }
0xa0: {  	v1 =	vand.u32 $0x3FFF, v1  }
0xa1: {  	[tilespmem:$0x2950] =	vst v1  }
0xa2: {  	v1 =	vld [tilespmem:s1+$0x60];
	_ =	sdelay $0x4  }
0xa3: {  	v1 =	vand.u32 $0x3FFF, v1  }
0xa4: {  	[tilespmem:$0x2960] =	vst v1  }
0xa5: {  	v1 =	vld [tilespmem:s1+$0x70];
	_ =	sdelay $0x4  }
0xa6: {  	v1 =	vand.u32 $0x3FFF, v1  }
0xa7: {  	[tilespmem:$0x2970] =	vst v1  }
0xa8: {  	[spmem:s2] =	stream.indirect.scatter.add.f32 [tilespmem:s18], [sflag:$0x3], $0x80, s24, s19, $0xb8;
	[tilespmem:$0x1EA00] =	vst v63  }
0xa9: {  	_ =	swait.ge [sflag:s25], $0x4000  }
0xaa: {  	[sflag:s25] =	ssyncset.done $0x0  }
0xab: {  	[sflag:s25] =	ssyncadd.s32 $0xFFFFC000  }
0xac: {  	v1 =	vld [tilespmem:s1+$0x80];
	_ =	sdelay $0x4  }
0xad: {  	v1 =	vand.u32 $0x3FFF, v1  }
0xae: {  	[tilespmem:$0x2980] =	vst v1  }
0xaf: {  	v1 =	vld [tilespmem:s1+$0x90];
	_ =	sdelay $0x4  }
0xb0: {  	v1 =	vand.u32 $0x3FFF, v1  }
0xb1: {  	[tilespmem:$0x2990] =	vst v1  }
0xb2: {  	v1 =	vld [tilespmem:s1+$0xA0];
	_ =	sdelay $0x4  }
0xb3: {  	v1 =	vand.u32 $0x3FFF, v1  }
0xb4: {  	[tilespmem:$0x29A0] =	vst v1  }
0xb5: {  	v1 =	vld [tilespmem:s1+$0xB0];
	_ =	sdelay $0x4  }
0xb6: {  	v1 =	vand.u32 $0x3FFF, v1  }
0xb7: {  	[tilespmem:$0x29B0] =	vst v1  }
0xb8: {  	v1 =	vld [tilespmem:s1+$0xC0];
	_ =	sdelay $0x4  }
0xb9: {  	v1 =	vand.u32 $0x3FFF, v1  }
0xba: {  	[tilespmem:$0x29C0] =	vst v1  }
0xbb: {  	v1 =	vld [tilespmem:s1+$0xD0];
	_ =	sdelay $0x4  }
0xbc: {  	v1 =	vand.u32 $0x3FFF, v1  }
0xbd: {  	[tilespmem:$0x29D0] =	vst v1  }
0xbe: {  	v1 =	vld [tilespmem:s1+$0xE0];
	_ =	sdelay $0x4  }
0xbf: {  	v1 =	vand.u32 $0x3FFF, v1  }
0xc0: {  	[tilespmem:$0x29E0] =	vst v1  }
0xc1: {  	v1 =	vld [tilespmem:s1+$0xF0];
	_ =	sdelay $0x1  }
0xc2: {  	p0 =	seq.s32 s31, $0x9C00  }
.Ltmp3:
0xc3: {  	_ = 	snop;
	(pc) =	sbr.rel @p0 .LBB2_6-.Ltmp3, $4  }
0xc4: {  	_ = 	snop  }
0xc5: {  	v1 =	vand.u32 $0x3FFF, v1  }
0xc6: {  	[tilespmem:$0x29F0] =	vst v1  }
0xc7: {  	[spmem:s2] =	stream.indirect.scatter.add.f32 [tilespmem:s22], [sflag:$0x4], $0x80, s26, s19, $0xb8;
	[tilespmem:$0x1EA00] =	vst v63  }
0xc8: {  	v1 =	vld [tilespmem:s1+$0x100];
	_ =	sdelay $0x4  }
0xc9: {  	v1 =	vshra.s32 v1, $0xE  }
0xca: {  	[tilespmem:$0x2800] =	vst v1  }
0xcb: {  	v1 =	vld [tilespmem:s1+$0x110];
	_ =	sdelay $0x4  }
0xcc: {  	v1 =	vshra.s32 v1, $0xE  }
0xcd: {  	[tilespmem:$0x2810] =	vst v1  }
0xce: {  	v1 =	vld [tilespmem:s1+$0x120];
	_ =	sdelay $0x4  }
0xcf: {  	v1 =	vshra.s32 v1, $0xE  }
0xd0: {  	[tilespmem:$0x2820] =	vst v1  }
0xd1: {  	v1 =	vld [tilespmem:s1+$0x130];
	_ =	sdelay $0x4  }
0xd2: {  	v1 =	vshra.s32 v1, $0xE  }
0xd3: {  	[tilespmem:$0x2830] =	vst v1  }
0xd4: {  	v1 =	vld [tilespmem:s1+$0x140];
	_ =	sdelay $0x4  }
0xd5: {  	v1 =	vshra.s32 v1, $0xE  }
0xd6: {  	[tilespmem:$0x2840] =	vst v1  }
0xd7: {  	v1 =	vld [tilespmem:s1+$0x150];
	_ =	sdelay $0x4  }
0xd8: {  	v1 =	vshra.s32 v1, $0xE  }
0xd9: {  	[tilespmem:$0x2850] =	vst v1  }
0xda: {  	v1 =	vld [tilespmem:s1+$0x160];
	_ =	sdelay $0x4  }
0xdb: {  	v1 =	vshra.s32 v1, $0xE  }
0xdc: {  	[tilespmem:$0x2860] =	vst v1  }
0xdd: {  	v1 =	vld [tilespmem:s1+$0x170];
	_ =	sdelay $0x4  }
0xde: {  	v1 =	vshra.s32 v1, $0xE  }
0xdf: {  	[tilespmem:$0x2870] =	vst v1  }
0xe0: {  	_ =	swait.ge [sflag:s28], $0x4000  }
0xe1: {  	[sflag:s28] =	ssyncset.done $0x0  }
0xe2: {  	[sflag:s28] =	ssyncadd.s32 $0xFFFFC000  }
0xe3: {  	[tilespmem:s18], [sflag:$0x1] =	stream.indirect.gather [hbm4b:s4+s19], $0x80, s20, s19, $0xb8;
	[tilespmem:$0x1EA00] =	vst v63  }
0xe4: {  	v1 =	vld [tilespmem:s1+$0x180];
	_ =	sdelay $0x4  }
0xe5: {  	v1 =	vshra.s32 v1, $0xE  }
0xe6: {  	[tilespmem:$0x2880] =	vst v1  }
0xe7: {  	v1 =	vld [tilespmem:s1+$0x190];
	_ =	sdelay $0x4  }
0xe8: {  	v1 =	vshra.s32 v1, $0xE  }
0xe9: {  	[tilespmem:$0x2890] =	vst v1  }
0xea: {  	v1 =	vld [tilespmem:s1+$0x1A0];
	_ =	sdelay $0x4  }
0xeb: {  	v1 =	vshra.s32 v1, $0xE  }
0xec: {  	[tilespmem:$0x28A0] =	vst v1  }
0xed: {  	v1 =	vld [tilespmem:s1+$0x1B0];
	_ =	sdelay $0x4  }
0xee: {  	v1 =	vshra.s32 v1, $0xE  }
0xef: {  	[tilespmem:$0x28B0] =	vst v1  }
0xf0: {  	v1 =	vld [tilespmem:s1+$0x1C0];
	_ =	sdelay $0x4  }
0xf1: {  	v1 =	vshra.s32 v1, $0xE  }
0xf2: {  	[tilespmem:$0x28C0] =	vst v1  }
0xf3: {  	v1 =	vld [tilespmem:s1+$0x1D0];
	_ =	sdelay $0x4  }
0xf4: {  	v1 =	vshra.s32 v1, $0xE  }
0xf5: {  	[tilespmem:$0x28D0] =	vst v1  }
0xf6: {  	v1 =	vld [tilespmem:s1+$0x1E0];
	_ =	sdelay $0x4  }
0xf7: {  	v1 =	vshra.s32 v1, $0xE  }
0xf8: {  	[tilespmem:$0x28E0] =	vst v1  }
0xf9: {  	v1 =	vld [tilespmem:s1+$0x1F0];
	_ =	sdelay $0x4  }
0xfa: {  	v1 =	vshra.s32 v1, $0xE  }
.Ltmp4:
0xfb: {  	[tilespmem:$0x28F0] =	vst v1;
	(pc) =	sbr.rel .LBB2_4-.Ltmp4, $4  }
0xfc: {  	_ =	swait.ge [sflag:s29], $0x4000  }
0xfd: {  	[sflag:s29] =	ssyncset.done $0x0  }
0xfe: {  	s31 =	sadd.s32 $0x400, s31;
	[sflag:s29] =	ssyncadd.s32 $0xFFFFC000  }
0xff: {  	[tilespmem:s22], [sflag:$0x2] =	stream.indirect.gather [hbm4b:s4+s19], $0x80, s21, s19, $0xb8;
	[tilespmem:$0x1EA00] =	vst v63  }
.LBB2_7:
0x100: {  	_ =	sfence.sel $0x180000  }
0x101: {  	[bflag:$0x0] =	sbarrier.arrive $0xFFFF  }
0x102: {  	_ =	strace $0x9000004A  }
0x103: {  	[bflag:$0x2] =	sbarrier.arrive $0xFFFF  }
0x104: {  	p0 =	sne.s32 s0, $0x0;
	s0 =	rddreg [dreg:$0x3]  }
0x105: {  	s0 =	sadd.s32 @!p0 $0x100000, s0  }
0x106: {  	[sflag:s0] =	ssyncadd.tile.s32 @!p0 $0x1;
	_ =	shalt  }
.Lfunc_end2:
_tile_overlayer_lowered:
.L_overlay_start_2:
0x107: {  	(tag) =	ssettag $0x2  }
0x108: {  	s0 =	rddreg [dreg:$0x0];
	s2 =	stileid.u32  }
0x109: {  	s1 =	rddreg [dreg:$0x1];
	p0 =	sne.s32 s2, $0x0  }
0x10a: {  	s3 =	rddreg [dreg:$0x2];
	[bflag:$0x3] =	sbarrier.arrive $0xFFFF;
	s2 =	simm.s32 @!p0 $0x1C05  }
0x10b: {  	[timem:s3], [sflag:s2] =	dma.local @!p0 [hbm:s0], s1  }
0x10c: {  	s0 =	simm.s32 @!p0 $0x5  }
0x10d: {  	_ =	swait.ge @!p0 [sflag:s0], s1  }
0x10e: {  	s1 =	ssub.s32 @!p0 $0x0, s1;
	[sflag:s0] =	ssyncset.done @!p0 $0x0  }
0x10f: {  	[sflag:s0] =	ssyncadd.s32 @!p0 s1  }
0x110: {  	[bflag:$0x3] =	sbarrier.arrive $0xFFFF  }
0x111: {  	_ =	shalt  }

</sc_bundles>
